<compile_context>
chip_gen: v7x
topology: tpu7x:2x2x1
jax: 0.10.2.dev20260603
libtpu: 0.0.44.dev20260713+nightly
codegen_flags: <defaults>
</compile_context>

<pallas_src>
import functools

import jax
import jax.numpy as jnp
import numpy as np
from jax import lax
from jax.experimental import pallas as pl
from jax.experimental.pallas import tpu as pltpu
from jax.experimental.pallas import tpu_sc as plsc

B, C, H, W = 8, 128, 64, 64
D, K = 64, 512
HW = H * W
P = 4096
TB = HW // P
NW = 32
PW = (B * HW) // NW
L = 16


def _dot(a, b):
    return lax.dot_general(a, b, (((1,), (0,)), ((), ())),
                           preferred_element_type=jnp.float32)


def _vq_body(x_ref, w_ref, b_ref, et2_ref, hl_ref, ind_ref, diff_ref):
    bix = pl.program_id(0)
    t = pl.program_id(1)
    x_blk = x_ref[0]
    xf = _dot(w_ref[...], x_blk) + b_ref[...]
    f2 = jnp.sum(xf * xf, axis=0, keepdims=True)
    et2 = et2_ref[...]
    e2c = jnp.sum(et2 * et2, axis=1, keepdims=True) * 0.25
    mmneg = _dot(et2, xf)
    dist = (f2 + mmneg) + e2c
    dmin = jnp.min(dist, axis=0, keepdims=True)
    eq_f = (dist == dmin).astype(jnp.float32)
    out = _dot(hl_ref[...], eq_f)
    ind_ref[0] = (2.0 * out[0:1] + out[1:2]).astype(jnp.int32)

    @pl.when((bix == 0) & (t == 0))
    def _init():
        diff_ref[...] = jnp.zeros_like(diff_ref)

    diff_ref[...] += jnp.sum(dmin).reshape(1, 1)


def _sc_gather_body(emb_hbm, ind_hbm, q_hbm, ind_v, out_v, emb_v):
    wid = lax.axis_index("s") * 2 + lax.axis_index("c")
    base = wid * PW
    b = base // HW
    c0 = base % HW
    pltpu.sync_copy(ind_hbm.at[b, 0, pl.ds(c0, PW)], ind_v)
    pltpu.sync_copy(emb_hbm, emb_v)
    def gloop(g, carry):
        idx = ind_v[pl.ds(g * L, L)]
        for d in range(D):
            row = plsc.load_gather(emb_v, [idx + d * K])
            out_v[d, pl.ds(g * L, L)] = row
        return carry

    lax.fori_loop(0, PW // L, gloop, 0)
    pltpu.sync_copy(out_v, q_hbm.at[b, :, pl.ds(c0, PW)])


_sc_gather = functools.partial(
    pl.kernel,
    mesh=plsc.VectorSubcoreMesh(core_axis_name="c", subcore_axis_name="s"),
    out_type=jax.ShapeDtypeStruct((B, D, HW), jnp.float32),
    compiler_params=pltpu.CompilerParams(needs_layout_passes=False),
    scratch_types=[
        pltpu.VMEM((PW,), jnp.int32),
        pltpu.VMEM((D, PW), jnp.float32),
        pltpu.VMEM((D * K,), jnp.float32),
    ],
)(_sc_gather_body)


def kernel(x, conv_w, conv_b, embed):
    x_r = x.reshape(B, C, HW)
    et2 = (-2.0 * embed).T
    kk = np.arange(K, dtype=np.float32)
    hl = jnp.concatenate([
        jnp.asarray(np.floor(kk / 2.0))[None, :],
        jnp.asarray(kk % 2.0)[None, :],
        jnp.zeros((6, K), jnp.float32),
    ], axis=0)
    ind, diff = pl.pallas_call(
        _vq_body,
        grid=(B, TB),
        in_specs=[
            pl.BlockSpec((1, C, P), lambda b, t: (b, 0, t)),
            pl.BlockSpec((D, C), lambda b, t: (0, 0)),
            pl.BlockSpec((D, 1), lambda b, t: (0, 0)),
            pl.BlockSpec((K, D), lambda b, t: (0, 0)),
            pl.BlockSpec((8, K), lambda b, t: (0, 0)),
        ],
        out_specs=[
            pl.BlockSpec((1, 1, P), lambda b, t: (b, 0, t)),
            pl.BlockSpec((1, 1), lambda b, t: (0, 0)),
        ],
        out_shape=[
            jax.ShapeDtypeStruct((B, 1, HW), jnp.int32),
            jax.ShapeDtypeStruct((1, 1), jnp.float32),
        ],
    )(x_r, conv_w, conv_b.reshape(D, 1), et2, hl)
    emb_flat = embed.reshape(D * K)
    q = _sc_gather(emb_flat, ind)
    quantize = q.reshape(B, D, H, W)
    embed_ind = ind.reshape(B, H, W)
    diff_s = diff[0, 0] / (B * HW * D)
    return quantize, diff_s, embed_ind

# --- scband reference (transcript-rebuilt; emitter-appended) ---
"""Pipeline reference for scband-vqvae-72919954751839 (READ-ONLY COPY).

The authoritative reference and input builder live on the scoring server;
editing this copy changes nothing except your own understanding.
"""

import jax, jax.numpy as jnp
import numpy as np

def setup_inputs(seed: int = 0) -> dict:
    key = jax.random.key(seed)
    k1, k2, k3 = jax.random.split(key, 3)
    x = jax.random.normal(k1, (8, 128, 64, 64), dtype=jnp.float32)
    # conv_in: 1x1 conv == per-pixel linear projection, weight [embed_dim, in_channels]
    conv_w = jax.random.normal(k2, (64, 128), dtype=jnp.float32) * (1.0 / np.sqrt(128.0))
    conv_b = jnp.zeros((64,), dtype=jnp.float32)
    # codebook buffer: embed[embed_dim, nb_entries]
    embed = jax.random.normal(k3, (64, 512), dtype=jnp.float32)
    return {"x": x, "conv_w": conv_w, "conv_b": conv_b, "embed": embed}

def reference(x, conv_w, conv_b, embed):
    # x: [B, Cin, H, W] -> 1x1 conv -> permute(0,2,3,1): [B, H, W, D]
    xf = jnp.einsum('bchw,dc->bhwd', x, conv_w) + conv_b
    d = xf.shape[-1]
    flatten = xf.reshape(-1, d)
    # squared L2 distance to every codebook entry
    dist = (jnp.sum(flatten ** 2, axis=1, keepdims=True)
            - 2.0 * (flatten @ embed)
            + jnp.sum(embed ** 2, axis=0, keepdims=True))
    embed_ind = jnp.argmax(-dist, axis=1)
    embed_ind = embed_ind.reshape(xf.shape[:-1])
    # embedding lookup from codebook (embed.T has shape [K, D])
    quantize = jnp.take(embed.T, embed_ind, axis=0)
    # commitment / codebook diff (eval mode: no EMA buffer updates)
    diff = jnp.mean((jax.lax.stop_gradient(quantize) - xf) ** 2)
    # straight-through estimator
    quantize = xf + jax.lax.stop_gradient(quantize - xf)
    return quantize.transpose(0, 3, 1, 2), diff, embed_ind

if __name__ == "__main__":
    import jax
    _d = setup_inputs()
    print(jax.jit(kernel)(*tuple(_d.values())))

</pallas_src>

<mosaic_0001>
#map = affine_map<(d0, d1) -> (0)>
#map1 = affine_map<(d0, d1) -> (0, 0, 0)>
module attributes {stable_mosaic.version = 14 : i64} {
  func.func @_sc_gather_body(%arg0: i32, %arg1: i32, %arg2: memref<32768xf32, #tpu.memory_space<hbm>>, %arg3: memref<8x1x4096xi32, #tpu.memory_space<hbm>>, %arg4: memref<8x64x4096xf32, #tpu.memory_space<hbm>>, %arg5: memref<1024xi32, #tpu.memory_space<vmem>>, %arg6: memref<64x1024xf32, #tpu.memory_space<vmem>>, %arg7: memref<32768xf32, #tpu.memory_space<vmem>>) attributes {dimension_semantics = [#tpu.dimension_semantics<core_parallel>, #tpu.dimension_semantics<subcore_parallel>], iteration_bounds = array<i64: 2, 16>, scalar_prefetch = 0 : i64, scratch_operands = 3 : i64, tpu.core_type = #tpu.core_type<sc_vector_subcore>, window_params = [{transform_indices = #map}, {transform_indices = #map1}, {transform_indices = #map1}]} {
    %mul3A = arith.constant 2 : i32
    %mul3A_0 = arith.muli %arg1, %mul3A : i32
    %add3A = arith.addi %mul3A_0, %arg0 : i32
    %mul3A_1 = arith.constant 1024 : i32
    %mul3A_2 = arith.muli %add3A, %mul3A_1 : i32
    %jit3A = arith.constant 4096 : i32
    %div3A = arith.divsi %mul3A_2, %jit3A : i32
    %sign3A = arith.constant 0 : i32
    %sign3A_3 = arith.cmpi sgt, %mul3A_2, %sign3A : i32
    %sign3A_4 = arith.extui %sign3A_3 : i1 to i32
    %sign3A_5 = arith.constant 0 : i32
    %sign3A_6 = arith.cmpi slt, %mul3A_2, %sign3A_5 : i32
    %sign3A_7 = arith.extui %sign3A_6 : i1 to i32
    %sign3A_8 = arith.subi %sign3A_4, %sign3A_7 : i32
    %sign3A_9 = arith.constant 0 : i32
    %sign3A_10 = arith.cmpi sgt, %jit3A, %sign3A_9 : i32
    %sign3A_11 = arith.extui %sign3A_10 : i1 to i32
    %sign3A_12 = arith.constant 0 : i32
    %sign3A_13 = arith.cmpi slt, %jit3A, %sign3A_12 : i32
    %sign3A_14 = arith.extui %sign3A_13 : i1 to i32
    %sign3A_15 = arith.subi %sign3A_11, %sign3A_14 : i32
    %ne3A = arith.cmpi ne, %sign3A_8, %sign3A_15 : i32
    %rem3A = arith.remsi %mul3A_2, %jit3A : i32
    %ne3A_16 = arith.constant 0 : i32
    %ne3A_17 = arith.cmpi ne, %rem3A, %ne3A_16 : i32
    %and3A = arith.andi %ne3A, %ne3A_17 : i1
    %sub3A = arith.constant 1 : i32
    %sub3A_18 = arith.subi %div3A, %sub3A : i32
    %select_n3A = arith.select %and3A, %sub3A_18, %div3A : i32
    %jit3A_19 = arith.constant 4096 : i32
    %eq3A = arith.constant 0 : i32
    %eq3A_20 = arith.cmpi eq, %jit3A_19, %eq3A : i32
    %jit3A_21 = arith.constant 1 : i32
    %select_n3A_22 = arith.select %eq3A_20, %jit3A_21, %jit3A_19 : i32
    %rem3A_23 = arith.remsi %mul3A_2, %select_n3A_22 : i32
    %ne3A_24 = arith.constant 0 : i32
    %ne3A_25 = arith.cmpi ne, %rem3A_23, %ne3A_24 : i32
    %lt3A = arith.constant 0 : i32
    %lt3A_26 = arith.cmpi slt, %rem3A_23, %lt3A : i32
    %lt3A_27 = arith.constant 0 : i32
    %lt3A_28 = arith.cmpi slt, %select_n3A_22, %lt3A_27 : i32
    %ne3A_29 = arith.xori %lt3A_26, %lt3A_28 : i1
    %and3A_30 = arith.andi %ne3A_29, %ne3A_25 : i1
    %add3A_31 = arith.addi %rem3A_23, %select_n3A_22 : i32
    %select_n3A_32 = arith.select %and3A_30, %add3A_31, %rem3A_23 : i32
    %run_scoped3A = arith.constant 0 : i32
    "tpu.region"() ({
      %run_scoped3A_38 = tpu.sem_alloc : memref<!tpu.dma_semaphore, #tpu.memory_space<semaphore_mem>>
      %dma_start3A = tpu.memref_slice %arg3[%select_n3A, %run_scoped3A, %select_n3A_32] : memref<8x1x4096xi32, #tpu.memory_space<hbm>> -> memref<1x1x1024xi32, #tpu.memory_space<hbm>>
      %dma_start3A_39 = tpu.memref_squeeze %dma_start3A : memref<1x1x1024xi32, #tpu.memory_space<hbm>> -> memref<1024xi32, #tpu.memory_space<hbm>>
      %dma_start3A_40 = tpu.memref_slice %arg3[%select_n3A, %run_scoped3A, %select_n3A_32] : memref<8x1x4096xi32, #tpu.memory_space<hbm>> -> memref<1x1x1024xi32, #tpu.memory_space<hbm>>
      %dma_start3A_41 = tpu.memref_squeeze %dma_start3A_40 : memref<1x1x1024xi32, #tpu.memory_space<hbm>> -> memref<1024xi32, #tpu.memory_space<hbm>>
      tpu.enqueue_dma source(%dma_start3A_41 : memref<1024xi32, #tpu.memory_space<hbm>>) target(%arg5 : memref<1024xi32, #tpu.memory_space<vmem>>) target_semaphore(%run_scoped3A_38 : memref<!tpu.dma_semaphore, #tpu.memory_space<semaphore_mem>>)
      %dma_wait3A = tpu.memref_slice %arg3[%select_n3A, %run_scoped3A, %select_n3A_32] : memref<8x1x4096xi32, #tpu.memory_space<hbm>> -> memref<1x1x1024xi32, #tpu.memory_space<hbm>>
      %dma_wait3A_42 = tpu.memref_squeeze %dma_wait3A : memref<1x1x1024xi32, #tpu.memory_space<hbm>> -> memref<1024xi32, #tpu.memory_space<hbm>>
      %dma_wait3A_43 = tpu.memref_slice %arg3[%select_n3A, %run_scoped3A, %select_n3A_32] : memref<8x1x4096xi32, #tpu.memory_space<hbm>> -> memref<1x1x1024xi32, #tpu.memory_space<hbm>>
      %dma_wait3A_44 = tpu.memref_squeeze %dma_wait3A_43 : memref<1x1x1024xi32, #tpu.memory_space<hbm>> -> memref<1024xi32, #tpu.memory_space<hbm>>
      tpu.wait_dma2 semaphore(%run_scoped3A_38 : memref<!tpu.dma_semaphore, #tpu.memory_space<semaphore_mem>>) src(%dma_wait3A_44 : memref<1024xi32, #tpu.memory_space<hbm>>) dst(%arg5 : memref<1024xi32, #tpu.memory_space<vmem>>)
      tpu.yield
    }) : () -> ()
    "tpu.region"() ({
      %run_scoped3A_38 = tpu.sem_alloc : memref<!tpu.dma_semaphore, #tpu.memory_space<semaphore_mem>>
      tpu.enqueue_dma source(%arg2 : memref<32768xf32, #tpu.memory_space<hbm>>) target(%arg7 : memref<32768xf32, #tpu.memory_space<vmem>>) target_semaphore(%run_scoped3A_38 : memref<!tpu.dma_semaphore, #tpu.memory_space<semaphore_mem>>)
      tpu.wait_dma2 semaphore(%run_scoped3A_38 : memref<!tpu.dma_semaphore, #tpu.memory_space<semaphore_mem>>) src(%arg2 : memref<32768xf32, #tpu.memory_space<hbm>>) dst(%arg7 : memref<32768xf32, #tpu.memory_space<vmem>>)
      tpu.yield
    }) : () -> ()
    %scan3A = arith.constant 0 : i32
    %scan3A_33 = arith.constant 0 : i32
    %scan3A_34 = arith.constant 64 : i32
    %scan3A_35 = arith.addi %scan3A_33, %scan3A_34 : i32
    %scan3A_36 = arith.constant 1 : i32
    scf.for %scan3A_38 = %scan3A_33 to %scan3A_35 step %scan3A_36  : i32 {
      %mul3A_39 = arith.constant 16 : i32
      %mul3A_40 = arith.muli %scan3A_38, %mul3A_39 : i32
      %get3A = arith.index_cast %mul3A_40 : i32 to index
      %get3A_41 = tpu.vector_load %arg5[%get3A] {strides = array<i32>} : memref<1024xi32, #tpu.memory_space<vmem>>, vector<16xi32>,
      %add3A_42 = arith.constant 0 : i32
      %add3A_43 = vector.broadcast %add3A_42 : i32 to vector<16xi32>
      %add3A_44 = arith.addi %get3A_41, %add3A_43 : vector<16xi32>
      %gather3A = tpu.vector_load_idx %arg7[%add3A_44] : memref<32768xf32, #tpu.memory_space<vmem>>[vector<16xi32>], vector<16xf32>,
      %mul3A_45 = arith.constant 16 : i32
      %mul3A_46 = arith.muli %scan3A_38, %mul3A_45 : i32
      %swap3A = arith.constant 0 : i32
      %swap3A_47 = arith.index_cast %swap3A : i32 to index
      %swap3A_48 = arith.index_cast %mul3A_46 : i32 to index
      %swap3A_49 = tpu.vector_load %arg6[%swap3A_47, %swap3A_48] {strides = array<i32>} : memref<64x1024xf32, #tpu.memory_space<vmem>>, vector<16xf32>,
      tpu.vector_store %arg6[%swap3A_47, %swap3A_48], %gather3A {strides = array<i32>} : memref<64x1024xf32, #tpu.memory_space<vmem>>, vector<16xf32>,
      %add3A_50 = arith.constant 512 : i32
      %add3A_51 = vector.broadcast %add3A_50 : i32 to vector<16xi32>
      %add3A_52 = arith.addi %get3A_41, %add3A_51 : vector<16xi32>
      %gather3A_53 = tpu.vector_load_idx %arg7[%add3A_52] : memref<32768xf32, #tpu.memory_space<vmem>>[vector<16xi32>], vector<16xf32>,
      %mul3A_54 = arith.constant 16 : i32
      %mul3A_55 = arith.muli %scan3A_38, %mul3A_54 : i32
      %swap3A_56 = arith.constant 1 : i32
      %swap3A_57 = arith.index_cast %swap3A_56 : i32 to index
      %swap3A_58 = arith.index_cast %mul3A_55 : i32 to index
      %swap3A_59 = tpu.vector_load %arg6[%swap3A_57, %swap3A_58] {strides = array<i32>} : memref<64x1024xf32, #tpu.memory_space<vmem>>, vector<16xf32>,
      tpu.vector_store %arg6[%swap3A_57, %swap3A_58], %gather3A_53 {strides = array<i32>} : memref<64x1024xf32, #tpu.memory_space<vmem>>, vector<16xf32>,
      %add3A_60 = arith.constant 1024 : i32
      %add3A_61 = vector.broadcast %add3A_60 : i32 to vector<16xi32>
      %add3A_62 = arith.addi %get3A_41, %add3A_61 : vector<16xi32>
      %gather3A_63 = tpu.vector_load_idx %arg7[%add3A_62] : memref<32768xf32, #tpu.memory_space<vmem>>[vector<16xi32>], vector<16xf32>,
      %mul3A_64 = arith.constant 16 : i32
      %mul3A_65 = arith.muli %scan3A_38, %mul3A_64 : i32
      %swap3A_66 = arith.constant 2 : i32
      %swap3A_67 = arith.index_cast %swap3A_66 : i32 to index
      %swap3A_68 = arith.index_cast %mul3A_65 : i32 to index
      %swap3A_69 = tpu.vector_load %arg6[%swap3A_67, %swap3A_68] {strides = array<i32>} : memref<64x1024xf32, #tpu.memory_space<vmem>>, vector<16xf32>,
      tpu.vector_store %arg6[%swap3A_67, %swap3A_68], %gather3A_63 {strides = array<i32>} : memref<64x1024xf32, #tpu.memory_space<vmem>>, vector<16xf32>,
      %add3A_70 = arith.constant 1536 : i32
      %add3A_71 = vector.broadcast %add3A_70 : i32 to vector<16xi32>
      %add3A_72 = arith.addi %get3A_41, %add3A_71 : vector<16xi32>
      %gather3A_73 = tpu.vector_load_idx %arg7[%add3A_72] : memref<32768xf32, #tpu.memory_space<vmem>>[vector<16xi32>], vector<16xf32>,
      %mul3A_74 = arith.constant 16 : i32
      %mul3A_75 = arith.muli %scan3A_38, %mul3A_74 : i32
      %swap3A_76 = arith.constant 3 : i32
      %swap3A_77 = arith.index_cast %swap3A_76 : i32 to index
      %swap3A_78 = arith.index_cast %mul3A_75 : i32 to index
      %swap3A_79 = tpu.vector_load %arg6[%swap3A_77, %swap3A_78] {strides = array<i32>} : memref<64x1024xf32, #tpu.memory_space<vmem>>, vector<16xf32>,
      tpu.vector_store %arg6[%swap3A_77, %swap3A_78], %gather3A_73 {strides = array<i32>} : memref<64x1024xf32, #tpu.memory_space<vmem>>, vector<16xf32>,
      %add3A_80 = arith.constant 2048 : i32
      %add3A_81 = vector.broadcast %add3A_80 : i32 to vector<16xi32>
      %add3A_82 = arith.addi %get3A_41, %add3A_81 : vector<16xi32>
      %gather3A_83 = tpu.vector_load_idx %arg7[%add3A_82] : memref<32768xf32, #tpu.memory_space<vmem>>[vector<16xi32>], vector<16xf32>,
      %mul3A_84 = arith.constant 16 : i32
      %mul3A_85 = arith.muli %scan3A_38, %mul3A_84 : i32
      %swap3A_86 = arith.constant 4 : i32
      %swap3A_87 = arith.index_cast %swap3A_86 : i32 to index
      %swap3A_88 = arith.index_cast %mul3A_85 : i32 to index
      %swap3A_89 = tpu.vector_load %arg6[%swap3A_87, %swap3A_88] {strides = array<i32>} : memref<64x1024xf32, #tpu.memory_space<vmem>>, vector<16xf32>,
      tpu.vector_store %arg6[%swap3A_87, %swap3A_88], %gather3A_83 {strides = array<i32>} : memref<64x1024xf32, #tpu.memory_space<vmem>>, vector<16xf32>,
      %add3A_90 = arith.constant 2560 : i32
      %add3A_91 = vector.broadcast %add3A_90 : i32 to vector<16xi32>
      %add3A_92 = arith.addi %get3A_41, %add3A_91 : vector<16xi32>
      %gather3A_93 = tpu.vector_load_idx %arg7[%add3A_92] : memref<32768xf32, #tpu.memory_space<vmem>>[vector<16xi32>], vector<16xf32>,
      %mul3A_94 = arith.constant 16 : i32
      %mul3A_95 = arith.muli %scan3A_38, %mul3A_94 : i32
      %swap3A_96 = arith.constant 5 : i32
      %swap3A_97 = arith.index_cast %swap3A_96 : i32 to index
      %swap3A_98 = arith.index_cast %mul3A_95 : i32 to index
      %swap3A_99 = tpu.vector_load %arg6[%swap3A_97, %swap3A_98] {strides = array<i32>} : memref<64x1024xf32, #tpu.memory_space<vmem>>, vector<16xf32>,
      tpu.vector_store %arg6[%swap3A_97, %swap3A_98], %gather3A_93 {strides = array<i32>} : memref<64x1024xf32, #tpu.memory_space<vmem>>, vector<16xf32>,
      %add3A_100 = arith.constant 3072 : i32
      %add3A_101 = vector.broadcast %add3A_100 : i32 to vector<16xi32>
      %add3A_102 = arith.addi %get3A_41, %add3A_101 : vector<16xi32>
      %gather3A_103 = tpu.vector_load_idx %arg7[%add3A_102] : memref<32768xf32, #tpu.memory_space<vmem>>[vector<16xi32>], vector<16xf32>,
      %mul3A_104 = arith.constant 16 : i32
      %mul3A_105 = arith.muli %scan3A_38, %mul3A_104 : i32
      %swap3A_106 = arith.constant 6 : i32
      %swap3A_107 = arith.index_cast %swap3A_106 : i32 to index
      %swap3A_108 = arith.index_cast %mul3A_105 : i32 to index
      %swap3A_109 = tpu.vector_load %arg6[%swap3A_107, %swap3A_108] {strides = array<i32>} : memref<64x1024xf32, #tpu.memory_space<vmem>>, vector<16xf32>,
      tpu.vector_store %arg6[%swap3A_107, %swap3A_108], %gather3A_103 {strides = array<i32>} : memref<64x1024xf32, #tpu.memory_space<vmem>>, vector<16xf32>,
      %add3A_110 = arith.constant 3584 : i32
      %add3A_111 = vector.broadcast %add3A_110 : i32 to vector<16xi32>
      %add3A_112 = arith.addi %get3A_41, %add3A_111 : vector<16xi32>
      %gather3A_113 = tpu.vector_load_idx %arg7[%add3A_112] : memref<32768xf32, #tpu.memory_space<vmem>>[vector<16xi32>], vector<16xf32>,
      %mul3A_114 = arith.constant 16 : i32
      %mul3A_115 = arith.muli %scan3A_38, %mul3A_114 : i32
      %swap3A_116 = arith.constant 7 : i32
      %swap3A_117 = arith.index_cast %swap3A_116 : i32 to index
      %swap3A_118 = arith.index_cast %mul3A_115 : i32 to index
      %swap3A_119 = tpu.vector_load %arg6[%swap3A_117, %swap3A_118] {strides = array<i32>} : memref<64x1024xf32, #tpu.memory_space<vmem>>, vector<16xf32>,
      tpu.vector_store %arg6[%swap3A_117, %swap3A_118], %gather3A_113 {strides = array<i32>} : memref<64x1024xf32, #tpu.memory_space<vmem>>, vector<16xf32>,
      %add3A_120 = arith.constant 4096 : i32
      %add3A_121 = vector.broadcast %add3A_120 : i32 to vector<16xi32>
      %add3A_122 = arith.addi %get3A_41, %add3A_121 : vector<16xi32>
      %gather3A_123 = tpu.vector_load_idx %arg7[%add3A_122] : memref<32768xf32, #tpu.memory_space<vmem>>[vector<16xi32>], vector<16xf32>,
      %mul3A_124 = arith.constant 16 : i32
      %mul3A_125 = arith.muli %scan3A_38, %mul3A_124 : i32
      %swap3A_126 = arith.constant 8 : i32
      %swap3A_127 = arith.index_cast %swap3A_126 : i32 to index
      %swap3A_128 = arith.index_cast %mul3A_125 : i32 to index
      %swap3A_129 = tpu.vector_load %arg6[%swap3A_127, %swap3A_128] {strides = array<i32>} : memref<64x1024xf32, #tpu.memory_space<vmem>>, vector<16xf32>,
      tpu.vector_store %arg6[%swap3A_127, %swap3A_128], %gather3A_123 {strides = array<i32>} : memref<64x1024xf32, #tpu.memory_space<vmem>>, vector<16xf32>,
      %add3A_130 = arith.constant 4608 : i32
      %add3A_131 = vector.broadcast %add3A_130 : i32 to vector<16xi32>
      %add3A_132 = arith.addi %get3A_41, %add3A_131 : vector<16xi32>
      %gather3A_133 = tpu.vector_load_idx %arg7[%add3A_132] : memref<32768xf32, #tpu.memory_space<vmem>>[vector<16xi32>], vector<16xf32>,
      %mul3A_134 = arith.constant 16 : i32
      %mul3A_135 = arith.muli %scan3A_38, %mul3A_134 : i32
      %swap3A_136 = arith.constant 9 : i32
      %swap3A_137 = arith.index_cast %swap3A_136 : i32 to index
      %swap3A_138 = arith.index_cast %mul3A_135 : i32 to index
      %swap3A_139 = tpu.vector_load %arg6[%swap3A_137, %swap3A_138] {strides = array<i32>} : memref<64x1024xf32, #tpu.memory_space<vmem>>, vector<16xf32>,
      tpu.vector_store %arg6[%swap3A_137, %swap3A_138], %gather3A_133 {strides = array<i32>} : memref<64x1024xf32, #tpu.memory_space<vmem>>, vector<16xf32>,
      %add3A_140 = arith.constant 5120 : i32
      %add3A_141 = vector.broadcast %add3A_140 : i32 to vector<16xi32>
      %add3A_142 = arith.addi %get3A_41, %add3A_141 : vector<16xi32>
      %gather3A_143 = tpu.vector_load_idx %arg7[%add3A_142] : memref<32768xf32, #tpu.memory_space<vmem>>[vector<16xi32>], vector<16xf32>,
      %mul3A_144 = arith.constant 16 : i32
      %mul3A_145 = arith.muli %scan3A_38, %mul3A_144 : i32
      %swap3A_146 = arith.constant 10 : i32
      %swap3A_147 = arith.index_cast %swap3A_146 : i32 to index
      %swap3A_148 = arith.index_cast %mul3A_145 : i32 to index
      %swap3A_149 = tpu.vector_load %arg6[%swap3A_147, %swap3A_148] {strides = array<i32>} : memref<64x1024xf32, #tpu.memory_space<vmem>>, vector<16xf32>,
      tpu.vector_store %arg6[%swap3A_147, %swap3A_148], %gather3A_143 {strides = array<i32>} : memref<64x1024xf32, #tpu.memory_space<vmem>>, vector<16xf32>,
      %add3A_150 = arith.constant 5632 : i32
      %add3A_151 = vector.broadcast %add3A_150 : i32 to vector<16xi32>
      %add3A_152 = arith.addi %get3A_41, %add3A_151 : vector<16xi32>
      %gather3A_153 = tpu.vector_load_idx %arg7[%add3A_152] : memref<32768xf32, #tpu.memory_space<vmem>>[vector<16xi32>], vector<16xf32>,
      %mul3A_154 = arith.constant 16 : i32
      %mul3A_155 = arith.muli %scan3A_38, %mul3A_154 : i32
      %swap3A_156 = arith.constant 11 : i32
      %swap3A_157 = arith.index_cast %swap3A_156 : i32 to index
      %swap3A_158 = arith.index_cast %mul3A_155 : i32 to index
      %swap3A_159 = tpu.vector_load %arg6[%swap3A_157, %swap3A_158] {strides = array<i32>} : memref<64x1024xf32, #tpu.memory_space<vmem>>, vector<16xf32>,
      tpu.vector_store %arg6[%swap3A_157, %swap3A_158], %gather3A_153 {strides = array<i32>} : memref<64x1024xf32, #tpu.memory_space<vmem>>, vector<16xf32>,
      %add3A_160 = arith.constant 6144 : i32
      %add3A_161 = vector.broadcast %add3A_160 : i32 to vector<16xi32>
      %add3A_162 = arith.addi %get3A_41, %add3A_161 : vector<16xi32>
      %gather3A_163 = tpu.vector_load_idx %arg7[%add3A_162] : memref<32768xf32, #tpu.memory_space<vmem>>[vector<16xi32>], vector<16xf32>,
      %mul3A_164 = arith.constant 16 : i32
      %mul3A_165 = arith.muli %scan3A_38, %mul3A_164 : i32
      %swap3A_166 = arith.constant 12 : i32
      %swap3A_167 = arith.index_cast %swap3A_166 : i32 to index
      %swap3A_168 = arith.index_cast %mul3A_165 : i32 to index
      %swap3A_169 = tpu.vector_load %arg6[%swap3A_167, %swap3A_168] {strides = array<i32>} : memref<64x1024xf32, #tpu.memory_space<vmem>>, vector<16xf32>,
      tpu.vector_store %arg6[%swap3A_167, %swap3A_168], %gather3A_163 {strides = array<i32>} : memref<64x1024xf32, #tpu.memory_space<vmem>>, vector<16xf32>,
      %add3A_170 = arith.constant 6656 : i32
      %add3A_171 = vector.broadcast %add3A_170 : i32 to vector<16xi32>
      %add3A_172 = arith.addi %get3A_41, %add3A_171 : vector<16xi32>
      %gather3A_173 = tpu.vector_load_idx %arg7[%add3A_172] : memref<32768xf32, #tpu.memory_space<vmem>>[vector<16xi32>], vector<16xf32>,
      %mul3A_174 = arith.constant 16 : i32
      %mul3A_175 = arith.muli %scan3A_38, %mul3A_174 : i32
      %swap3A_176 = arith.constant 13 : i32
      %swap3A_177 = arith.index_cast %swap3A_176 : i32 to index
      %swap3A_178 = arith.index_cast %mul3A_175 : i32 to index
      %swap3A_179 = tpu.vector_load %arg6[%swap3A_177, %swap3A_178] {strides = array<i32>} : memref<64x1024xf32, #tpu.memory_space<vmem>>, vector<16xf32>,
      tpu.vector_store %arg6[%swap3A_177, %swap3A_178], %gather3A_173 {strides = array<i32>} : memref<64x1024xf32, #tpu.memory_space<vmem>>, vector<16xf32>,
      %add3A_180 = arith.constant 7168 : i32
      %add3A_181 = vector.broadcast %add3A_180 : i32 to vector<16xi32>
      %add3A_182 = arith.addi %get3A_41, %add3A_181 : vector<16xi32>
      %gather3A_183 = tpu.vector_load_idx %arg7[%add3A_182] : memref<32768xf32, #tpu.memory_space<vmem>>[vector<16xi32>], vector<16xf32>,
      %mul3A_184 = arith.constant 16 : i32
      %mul3A_185 = arith.muli %scan3A_38, %mul3A_184 : i32
      %swap3A_186 = arith.constant 14 : i32
      %swap3A_187 = arith.index_cast %swap3A_186 : i32 to index
      %swap3A_188 = arith.index_cast %mul3A_185 : i32 to index
      %swap3A_189 = tpu.vector_load %arg6[%swap3A_187, %swap3A_188] {strides = array<i32>} : memref<64x1024xf32, #tpu.memory_space<vmem>>, vector<16xf32>,
      tpu.vector_store %arg6[%swap3A_187, %swap3A_188], %gather3A_183 {strides = array<i32>} : memref<64x1024xf32, #tpu.memory_space<vmem>>, vector<16xf32>,
      %add3A_190 = arith.constant 7680 : i32
      %add3A_191 = vector.broadcast %add3A_190 : i32 to vector<16xi32>
      %add3A_192 = arith.addi %get3A_41, %add3A_191 : vector<16xi32>
      %gather3A_193 = tpu.vector_load_idx %arg7[%add3A_192] : memref<32768xf32, #tpu.memory_space<vmem>>[vector<16xi32>], vector<16xf32>,
      %mul3A_194 = arith.constant 16 : i32
      %mul3A_195 = arith.muli %scan3A_38, %mul3A_194 : i32
      %swap3A_196 = arith.constant 15 : i32
      %swap3A_197 = arith.index_cast %swap3A_196 : i32 to index
      %swap3A_198 = arith.index_cast %mul3A_195 : i32 to index
      %swap3A_199 = tpu.vector_load %arg6[%swap3A_197, %swap3A_198] {strides = array<i32>} : memref<64x1024xf32, #tpu.memory_space<vmem>>, vector<16xf32>,
      tpu.vector_store %arg6[%swap3A_197, %swap3A_198], %gather3A_193 {strides = array<i32>} : memref<64x1024xf32, #tpu.memory_space<vmem>>, vector<16xf32>,
      %add3A_200 = arith.constant 8192 : i32
      %add3A_201 = vector.broadcast %add3A_200 : i32 to vector<16xi32>
      %add3A_202 = arith.addi %get3A_41, %add3A_201 : vector<16xi32>
      %gather3A_203 = tpu.vector_load_idx %arg7[%add3A_202] : memref<32768xf32, #tpu.memory_space<vmem>>[vector<16xi32>], vector<16xf32>,
      %mul3A_204 = arith.constant 16 : i32
      %mul3A_205 = arith.muli %scan3A_38, %mul3A_204 : i32
      %swap3A_206 = arith.constant 16 : i32
      %swap3A_207 = arith.index_cast %swap3A_206 : i32 to index
      %swap3A_208 = arith.index_cast %mul3A_205 : i32 to index
      %swap3A_209 = tpu.vector_load %arg6[%swap3A_207, %swap3A_208] {strides = array<i32>} : memref<64x1024xf32, #tpu.memory_space<vmem>>, vector<16xf32>,
      tpu.vector_store %arg6[%swap3A_207, %swap3A_208], %gather3A_203 {strides = array<i32>} : memref<64x1024xf32, #tpu.memory_space<vmem>>, vector<16xf32>,
      %add3A_210 = arith.constant 8704 : i32
      %add3A_211 = vector.broadcast %add3A_210 : i32 to vector<16xi32>
      %add3A_212 = arith.addi %get3A_41, %add3A_211 : vector<16xi32>
      %gather3A_213 = tpu.vector_load_idx %arg7[%add3A_212] : memref<32768xf32, #tpu.memory_space<vmem>>[vector<16xi32>], vector<16xf32>,
      %mul3A_214 = arith.constant 16 : i32
      %mul3A_215 = arith.muli %scan3A_38, %mul3A_214 : i32
      %swap3A_216 = arith.constant 17 : i32
      %swap3A_217 = arith.index_cast %swap3A_216 : i32 to index
      %swap3A_218 = arith.index_cast %mul3A_215 : i32 to index
      %swap3A_219 = tpu.vector_load %arg6[%swap3A_217, %swap3A_218] {strides = array<i32>} : memref<64x1024xf32, #tpu.memory_space<vmem>>, vector<16xf32>,
      tpu.vector_store %arg6[%swap3A_217, %swap3A_218], %gather3A_213 {strides = array<i32>} : memref<64x1024xf32, #tpu.memory_space<vmem>>, vector<16xf32>,
      %add3A_220 = arith.constant 9216 : i32
      %add3A_221 = vector.broadcast %add3A_220 : i32 to vector<16xi32>
      %add3A_222 = arith.addi %get3A_41, %add3A_221 : vector<16xi32>
      %gather3A_223 = tpu.vector_load_idx %arg7[%add3A_222] : memref<32768xf32, #tpu.memory_space<vmem>>[vector<16xi32>], vector<16xf32>,
      %mul3A_224 = arith.constant 16 : i32
      %mul3A_225 = arith.muli %scan3A_38, %mul3A_224 : i32
      %swap3A_226 = arith.constant 18 : i32
      %swap3A_227 = arith.index_cast %swap3A_226 : i32 to index
      %swap3A_228 = arith.index_cast %mul3A_225 : i32 to index
      %swap3A_229 = tpu.vector_load %arg6[%swap3A_227, %swap3A_228] {strides = array<i32>} : memref<64x1024xf32, #tpu.memory_space<vmem>>, vector<16xf32>,
      tpu.vector_store %arg6[%swap3A_227, %swap3A_228], %gather3A_223 {strides = array<i32>} : memref<64x1024xf32, #tpu.memory_space<vmem>>, vector<16xf32>,
      %add3A_230 = arith.constant 9728 : i32
      %add3A_231 = vector.broadcast %add3A_230 : i32 to vector<16xi32>
      %add3A_232 = arith.addi %get3A_41, %add3A_231 : vector<16xi32>
      %gather3A_233 = tpu.vector_load_idx %arg7[%add3A_232] : memref<32768xf32, #tpu.memory_space<vmem>>[vector<16xi32>], vector<16xf32>,
      %mul3A_234 = arith.constant 16 : i32
      %mul3A_235 = arith.muli %scan3A_38, %mul3A_234 : i32
      %swap3A_236 = arith.constant 19 : i32
      %swap3A_237 = arith.index_cast %swap3A_236 : i32 to index
      %swap3A_238 = arith.index_cast %mul3A_235 : i32 to index
      %swap3A_239 = tpu.vector_load %arg6[%swap3A_237, %swap3A_238] {strides = array<i32>} : memref<64x1024xf32, #tpu.memory_space<vmem>>, vector<16xf32>,
      tpu.vector_store %arg6[%swap3A_237, %swap3A_238], %gather3A_233 {strides = array<i32>} : memref<64x1024xf32, #tpu.memory_space<vmem>>, vector<16xf32>,
      %add3A_240 = arith.constant 10240 : i32
      %add3A_241 = vector.broadcast %add3A_240 : i32 to vector<16xi32>
      %add3A_242 = arith.addi %get3A_41, %add3A_241 : vector<16xi32>
      %gather3A_243 = tpu.vector_load_idx %arg7[%add3A_242] : memref<32768xf32, #tpu.memory_space<vmem>>[vector<16xi32>], vector<16xf32>,
      %mul3A_244 = arith.constant 16 : i32
      %mul3A_245 = arith.muli %scan3A_38, %mul3A_244 : i32
      %swap3A_246 = arith.constant 20 : i32
      %swap3A_247 = arith.index_cast %swap3A_246 : i32 to index
      %swap3A_248 = arith.index_cast %mul3A_245 : i32 to index
      %swap3A_249 = tpu.vector_load %arg6[%swap3A_247, %swap3A_248] {strides = array<i32>} : memref<64x1024xf32, #tpu.memory_space<vmem>>, vector<16xf32>,
      tpu.vector_store %arg6[%swap3A_247, %swap3A_248], %gather3A_243 {strides = array<i32>} : memref<64x1024xf32, #tpu.memory_space<vmem>>, vector<16xf32>,
      %add3A_250 = arith.constant 10752 : i32
      %add3A_251 = vector.broadcast %add3A_250 : i32 to vector<16xi32>
      %add3A_252 = arith.addi %get3A_41, %add3A_251 : vector<16xi32>
      %gather3A_253 = tpu.vector_load_idx %arg7[%add3A_252] : memref<32768xf32, #tpu.memory_space<vmem>>[vector<16xi32>], vector<16xf32>,
      %mul3A_254 = arith.constant 16 : i32
      %mul3A_255 = arith.muli %scan3A_38, %mul3A_254 : i32
      %swap3A_256 = arith.constant 21 : i32
      %swap3A_257 = arith.index_cast %swap3A_256 : i32 to index
      %swap3A_258 = arith.index_cast %mul3A_255 : i32 to index
      %swap3A_259 = tpu.vector_load %arg6[%swap3A_257, %swap3A_258] {strides = array<i32>} : memref<64x1024xf32, #tpu.memory_space<vmem>>, vector<16xf32>,
      tpu.vector_store %arg6[%swap3A_257, %swap3A_258], %gather3A_253 {strides = array<i32>} : memref<64x1024xf32, #tpu.memory_space<vmem>>, vector<16xf32>,
      %add3A_260 = arith.constant 11264 : i32
      %add3A_261 = vector.broadcast %add3A_260 : i32 to vector<16xi32>
      %add3A_262 = arith.addi %get3A_41, %add3A_261 : vector<16xi32>
      %gather3A_263 = tpu.vector_load_idx %arg7[%add3A_262] : memref<32768xf32, #tpu.memory_space<vmem>>[vector<16xi32>], vector<16xf32>,
      %mul3A_264 = arith.constant 16 : i32
      %mul3A_265 = arith.muli %scan3A_38, %mul3A_264 : i32
      %swap3A_266 = arith.constant 22 : i32
      %swap3A_267 = arith.index_cast %swap3A_266 : i32 to index
      %swap3A_268 = arith.index_cast %mul3A_265 : i32 to index
      %swap3A_269 = tpu.vector_load %arg6[%swap3A_267, %swap3A_268] {strides = array<i32>} : memref<64x1024xf32, #tpu.memory_space<vmem>>, vector<16xf32>,
      tpu.vector_store %arg6[%swap3A_267, %swap3A_268], %gather3A_263 {strides = array<i32>} : memref<64x1024xf32, #tpu.memory_space<vmem>>, vector<16xf32>,
      %add3A_270 = arith.constant 11776 : i32
      %add3A_271 = vector.broadcast %add3A_270 : i32 to vector<16xi32>
      %add3A_272 = arith.addi %get3A_41, %add3A_271 : vector<16xi32>
      %gather3A_273 = tpu.vector_load_idx %arg7[%add3A_272] : memref<32768xf32, #tpu.memory_space<vmem>>[vector<16xi32>], vector<16xf32>,
      %mul3A_274 = arith.constant 16 : i32
      %mul3A_275 = arith.muli %scan3A_38, %mul3A_274 : i32
      %swap3A_276 = arith.constant 23 : i32
      %swap3A_277 = arith.index_cast %swap3A_276 : i32 to index
      %swap3A_278 = arith.index_cast %mul3A_275 : i32 to index
      %swap3A_279 = tpu.vector_load %arg6[%swap3A_277, %swap3A_278] {strides = array<i32>} : memref<64x1024xf32, #tpu.memory_space<vmem>>, vector<16xf32>,
      tpu.vector_store %arg6[%swap3A_277, %swap3A_278], %gather3A_273 {strides = array<i32>} : memref<64x1024xf32, #tpu.memory_space<vmem>>, vector<16xf32>,
      %add3A_280 = arith.constant 12288 : i32
      %add3A_281 = vector.broadcast %add3A_280 : i32 to vector<16xi32>
      %add3A_282 = arith.addi %get3A_41, %add3A_281 : vector<16xi32>
      %gather3A_283 = tpu.vector_load_idx %arg7[%add3A_282] : memref<32768xf32, #tpu.memory_space<vmem>>[vector<16xi32>], vector<16xf32>,
      %mul3A_284 = arith.constant 16 : i32
      %mul3A_285 = arith.muli %scan3A_38, %mul3A_284 : i32
      %swap3A_286 = arith.constant 24 : i32
      %swap3A_287 = arith.index_cast %swap3A_286 : i32 to index
      %swap3A_288 = arith.index_cast %mul3A_285 : i32 to index
      %swap3A_289 = tpu.vector_load %arg6[%swap3A_287, %swap3A_288] {strides = array<i32>} : memref<64x1024xf32, #tpu.memory_space<vmem>>, vector<16xf32>,
      tpu.vector_store %arg6[%swap3A_287, %swap3A_288], %gather3A_283 {strides = array<i32>} : memref<64x1024xf32, #tpu.memory_space<vmem>>, vector<16xf32>,
      %add3A_290 = arith.constant 12800 : i32
      %add3A_291 = vector.broadcast %add3A_290 : i32 to vector<16xi32>
      %add3A_292 = arith.addi %get3A_41, %add3A_291 : vector<16xi32>
      %gather3A_293 = tpu.vector_load_idx %arg7[%add3A_292] : memref<32768xf32, #tpu.memory_space<vmem>>[vector<16xi32>], vector<16xf32>,
      %mul3A_294 = arith.constant 16 : i32
      %mul3A_295 = arith.muli %scan3A_38, %mul3A_294 : i32
      %swap3A_296 = arith.constant 25 : i32
      %swap3A_297 = arith.index_cast %swap3A_296 : i32 to index
      %swap3A_298 = arith.index_cast %mul3A_295 : i32 to index
      %swap3A_299 = tpu.vector_load %arg6[%swap3A_297, %swap3A_298] {strides = array<i32>} : memref<64x1024xf32, #tpu.memory_space<vmem>>, vector<16xf32>,
      tpu.vector_store %arg6[%swap3A_297, %swap3A_298], %gather3A_293 {strides = array<i32>} : memref<64x1024xf32, #tpu.memory_space<vmem>>, vector<16xf32>,
      %add3A_300 = arith.constant 13312 : i32
      %add3A_301 = vector.broadcast %add3A_300 : i32 to vector<16xi32>
      %add3A_302 = arith.addi %get3A_41, %add3A_301 : vector<16xi32>
      %gather3A_303 = tpu.vector_load_idx %arg7[%add3A_302] : memref<32768xf32, #tpu.memory_space<vmem>>[vector<16xi32>], vector<16xf32>,
      %mul3A_304 = arith.constant 16 : i32
      %mul3A_305 = arith.muli %scan3A_38, %mul3A_304 : i32
      %swap3A_306 = arith.constant 26 : i32
      %swap3A_307 = arith.index_cast %swap3A_306 : i32 to index
      %swap3A_308 = arith.index_cast %mul3A_305 : i32 to index
      %swap3A_309 = tpu.vector_load %arg6[%swap3A_307, %swap3A_308] {strides = array<i32>} : memref<64x1024xf32, #tpu.memory_space<vmem>>, vector<16xf32>,
      tpu.vector_store %arg6[%swap3A_307, %swap3A_308], %gather3A_303 {strides = array<i32>} : memref<64x1024xf32, #tpu.memory_space<vmem>>, vector<16xf32>,
      %add3A_310 = arith.constant 13824 : i32
      %add3A_311 = vector.broadcast %add3A_310 : i32 to vector<16xi32>
      %add3A_312 = arith.addi %get3A_41, %add3A_311 : vector<16xi32>
      %gather3A_313 = tpu.vector_load_idx %arg7[%add3A_312] : memref<32768xf32, #tpu.memory_space<vmem>>[vector<16xi32>], vector<16xf32>,
      %mul3A_314 = arith.constant 16 : i32
      %mul3A_315 = arith.muli %scan3A_38, %mul3A_314 : i32
      %swap3A_316 = arith.constant 27 : i32
      %swap3A_317 = arith.index_cast %swap3A_316 : i32 to index
      %swap3A_318 = arith.index_cast %mul3A_315 : i32 to index
      %swap3A_319 = tpu.vector_load %arg6[%swap3A_317, %swap3A_318] {strides = array<i32>} : memref<64x1024xf32, #tpu.memory_space<vmem>>, vector<16xf32>,
      tpu.vector_store %arg6[%swap3A_317, %swap3A_318], %gather3A_313 {strides = array<i32>} : memref<64x1024xf32, #tpu.memory_space<vmem>>, vector<16xf32>,
      %add3A_320 = arith.constant 14336 : i32
      %add3A_321 = vector.broadcast %add3A_320 : i32 to vector<16xi32>
      %add3A_322 = arith.addi %get3A_41, %add3A_321 : vector<16xi32>
      %gather3A_323 = tpu.vector_load_idx %arg7[%add3A_322] : memref<32768xf32, #tpu.memory_space<vmem>>[vector<16xi32>], vector<16xf32>,
      %mul3A_324 = arith.constant 16 : i32
      %mul3A_325 = arith.muli %scan3A_38, %mul3A_324 : i32
      %swap3A_326 = arith.constant 28 : i32
      %swap3A_327 = arith.index_cast %swap3A_326 : i32 to index
      %swap3A_328 = arith.index_cast %mul3A_325 : i32 to index
      %swap3A_329 = tpu.vector_load %arg6[%swap3A_327, %swap3A_328] {strides = array<i32>} : memref<64x1024xf32, #tpu.memory_space<vmem>>, vector<16xf32>,
      tpu.vector_store %arg6[%swap3A_327, %swap3A_328], %gather3A_323 {strides = array<i32>} : memref<64x1024xf32, #tpu.memory_space<vmem>>, vector<16xf32>,
      %add3A_330 = arith.constant 14848 : i32
      %add3A_331 = vector.broadcast %add3A_330 : i32 to vector<16xi32>
      %add3A_332 = arith.addi %get3A_41, %add3A_331 : vector<16xi32>
      %gather3A_333 = tpu.vector_load_idx %arg7[%add3A_332] : memref<32768xf32, #tpu.memory_space<vmem>>[vector<16xi32>], vector<16xf32>,
      %mul3A_334 = arith.constant 16 : i32
      %mul3A_335 = arith.muli %scan3A_38, %mul3A_334 : i32
      %swap3A_336 = arith.constant 29 : i32
      %swap3A_337 = arith.index_cast %swap3A_336 : i32 to index
      %swap3A_338 = arith.index_cast %mul3A_335 : i32 to index
      %swap3A_339 = tpu.vector_load %arg6[%swap3A_337, %swap3A_338] {strides = array<i32>} : memref<64x1024xf32, #tpu.memory_space<vmem>>, vector<16xf32>,
      tpu.vector_store %arg6[%swap3A_337, %swap3A_338], %gather3A_333 {strides = array<i32>} : memref<64x1024xf32, #tpu.memory_space<vmem>>, vector<16xf32>,
      %add3A_340 = arith.constant 15360 : i32
      %add3A_341 = vector.broadcast %add3A_340 : i32 to vector<16xi32>
      %add3A_342 = arith.addi %get3A_41, %add3A_341 : vector<16xi32>
      %gather3A_343 = tpu.vector_load_idx %arg7[%add3A_342] : memref<32768xf32, #tpu.memory_space<vmem>>[vector<16xi32>], vector<16xf32>,
      %mul3A_344 = arith.constant 16 : i32
      %mul3A_345 = arith.muli %scan3A_38, %mul3A_344 : i32
      %swap3A_346 = arith.constant 30 : i32
      %swap3A_347 = arith.index_cast %swap3A_346 : i32 to index
      %swap3A_348 = arith.index_cast %mul3A_345 : i32 to index
      %swap3A_349 = tpu.vector_load %arg6[%swap3A_347, %swap3A_348] {strides = array<i32>} : memref<64x1024xf32, #tpu.memory_space<vmem>>, vector<16xf32>,
      tpu.vector_store %arg6[%swap3A_347, %swap3A_348], %gather3A_343 {strides = array<i32>} : memref<64x1024xf32, #tpu.memory_space<vmem>>, vector<16xf32>,
      %add3A_350 = arith.constant 15872 : i32
      %add3A_351 = vector.broadcast %add3A_350 : i32 to vector<16xi32>
      %add3A_352 = arith.addi %get3A_41, %add3A_351 : vector<16xi32>
      %gather3A_353 = tpu.vector_load_idx %arg7[%add3A_352] : memref<32768xf32, #tpu.memory_space<vmem>>[vector<16xi32>], vector<16xf32>,
      %mul3A_354 = arith.constant 16 : i32
      %mul3A_355 = arith.muli %scan3A_38, %mul3A_354 : i32
      %swap3A_356 = arith.constant 31 : i32
      %swap3A_357 = arith.index_cast %swap3A_356 : i32 to index
      %swap3A_358 = arith.index_cast %mul3A_355 : i32 to index
      %swap3A_359 = tpu.vector_load %arg6[%swap3A_357, %swap3A_358] {strides = array<i32>} : memref<64x1024xf32, #tpu.memory_space<vmem>>, vector<16xf32>,
      tpu.vector_store %arg6[%swap3A_357, %swap3A_358], %gather3A_353 {strides = array<i32>} : memref<64x1024xf32, #tpu.memory_space<vmem>>, vector<16xf32>,
      %add3A_360 = arith.constant 16384 : i32
      %add3A_361 = vector.broadcast %add3A_360 : i32 to vector<16xi32>
      %add3A_362 = arith.addi %get3A_41, %add3A_361 : vector<16xi32>
      %gather3A_363 = tpu.vector_load_idx %arg7[%add3A_362] : memref<32768xf32, #tpu.memory_space<vmem>>[vector<16xi32>], vector<16xf32>,
      %mul3A_364 = arith.constant 16 : i32
      %mul3A_365 = arith.muli %scan3A_38, %mul3A_364 : i32
      %swap3A_366 = arith.constant 32 : i32
      %swap3A_367 = arith.index_cast %swap3A_366 : i32 to index
      %swap3A_368 = arith.index_cast %mul3A_365 : i32 to index
      %swap3A_369 = tpu.vector_load %arg6[%swap3A_367, %swap3A_368] {strides = array<i32>} : memref<64x1024xf32, #tpu.memory_space<vmem>>, vector<16xf32>,
      tpu.vector_store %arg6[%swap3A_367, %swap3A_368], %gather3A_363 {strides = array<i32>} : memref<64x1024xf32, #tpu.memory_space<vmem>>, vector<16xf32>,
      %add3A_370 = arith.constant 16896 : i32
      %add3A_371 = vector.broadcast %add3A_370 : i32 to vector<16xi32>
      %add3A_372 = arith.addi %get3A_41, %add3A_371 : vector<16xi32>
      %gather3A_373 = tpu.vector_load_idx %arg7[%add3A_372] : memref<32768xf32, #tpu.memory_space<vmem>>[vector<16xi32>], vector<16xf32>,
      %mul3A_374 = arith.constant 16 : i32
      %mul3A_375 = arith.muli %scan3A_38, %mul3A_374 : i32
      %swap3A_376 = arith.constant 33 : i32
      %swap3A_377 = arith.index_cast %swap3A_376 : i32 to index
      %swap3A_378 = arith.index_cast %mul3A_375 : i32 to index
      %swap3A_379 = tpu.vector_load %arg6[%swap3A_377, %swap3A_378] {strides = array<i32>} : memref<64x1024xf32, #tpu.memory_space<vmem>>, vector<16xf32>,
      tpu.vector_store %arg6[%swap3A_377, %swap3A_378], %gather3A_373 {strides = array<i32>} : memref<64x1024xf32, #tpu.memory_space<vmem>>, vector<16xf32>,
      %add3A_380 = arith.constant 17408 : i32
      %add3A_381 = vector.broadcast %add3A_380 : i32 to vector<16xi32>
      %add3A_382 = arith.addi %get3A_41, %add3A_381 : vector<16xi32>
      %gather3A_383 = tpu.vector_load_idx %arg7[%add3A_382] : memref<32768xf32, #tpu.memory_space<vmem>>[vector<16xi32>], vector<16xf32>,
      %mul3A_384 = arith.constant 16 : i32
      %mul3A_385 = arith.muli %scan3A_38, %mul3A_384 : i32
      %swap3A_386 = arith.constant 34 : i32
      %swap3A_387 = arith.index_cast %swap3A_386 : i32 to index
      %swap3A_388 = arith.index_cast %mul3A_385 : i32 to index
      %swap3A_389 = tpu.vector_load %arg6[%swap3A_387, %swap3A_388] {strides = array<i32>} : memref<64x1024xf32, #tpu.memory_space<vmem>>, vector<16xf32>,
      tpu.vector_store %arg6[%swap3A_387, %swap3A_388], %gather3A_383 {strides = array<i32>} : memref<64x1024xf32, #tpu.memory_space<vmem>>, vector<16xf32>,
      %add3A_390 = arith.constant 17920 : i32
      %add3A_391 = vector.broadcast %add3A_390 : i32 to vector<16xi32>
      %add3A_392 = arith.addi %get3A_41, %add3A_391 : vector<16xi32>
      %gather3A_393 = tpu.vector_load_idx %arg7[%add3A_392] : memref<32768xf32, #tpu.memory_space<vmem>>[vector<16xi32>], vector<16xf32>,
      %mul3A_394 = arith.constant 16 : i32
      %mul3A_395 = arith.muli %scan3A_38, %mul3A_394 : i32
      %swap3A_396 = arith.constant 35 : i32
      %swap3A_397 = arith.index_cast %swap3A_396 : i32 to index
      %swap3A_398 = arith.index_cast %mul3A_395 : i32 to index
      %swap3A_399 = tpu.vector_load %arg6[%swap3A_397, %swap3A_398] {strides = array<i32>} : memref<64x1024xf32, #tpu.memory_space<vmem>>, vector<16xf32>,
      tpu.vector_store %arg6[%swap3A_397, %swap3A_398], %gather3A_393 {strides = array<i32>} : memref<64x1024xf32, #tpu.memory_space<vmem>>, vector<16xf32>,
      %add3A_400 = arith.constant 18432 : i32
      %add3A_401 = vector.broadcast %add3A_400 : i32 to vector<16xi32>
      %add3A_402 = arith.addi %get3A_41, %add3A_401 : vector<16xi32>
      %gather3A_403 = tpu.vector_load_idx %arg7[%add3A_402] : memref<32768xf32, #tpu.memory_space<vmem>>[vector<16xi32>], vector<16xf32>,
      %mul3A_404 = arith.constant 16 : i32
      %mul3A_405 = arith.muli %scan3A_38, %mul3A_404 : i32
      %swap3A_406 = arith.constant 36 : i32
      %swap3A_407 = arith.index_cast %swap3A_406 : i32 to index
      %swap3A_408 = arith.index_cast %mul3A_405 : i32 to index
      %swap3A_409 = tpu.vector_load %arg6[%swap3A_407, %swap3A_408] {strides = array<i32>} : memref<64x1024xf32, #tpu.memory_space<vmem>>, vector<16xf32>,
      tpu.vector_store %arg6[%swap3A_407, %swap3A_408], %gather3A_403 {strides = array<i32>} : memref<64x1024xf32, #tpu.memory_space<vmem>>, vector<16xf32>,
      %add3A_410 = arith.constant 18944 : i32
      %add3A_411 = vector.broadcast %add3A_410 : i32 to vector<16xi32>
      %add3A_412 = arith.addi %get3A_41, %add3A_411 : vector<16xi32>
      %gather3A_413 = tpu.vector_load_idx %arg7[%add3A_412] : memref<32768xf32, #tpu.memory_space<vmem>>[vector<16xi32>], vector<16xf32>,
      %mul3A_414 = arith.constant 16 : i32
      %mul3A_415 = arith.muli %scan3A_38, %mul3A_414 : i32
      %swap3A_416 = arith.constant 37 : i32
      %swap3A_417 = arith.index_cast %swap3A_416 : i32 to index
      %swap3A_418 = arith.index_cast %mul3A_415 : i32 to index
      %swap3A_419 = tpu.vector_load %arg6[%swap3A_417, %swap3A_418] {strides = array<i32>} : memref<64x1024xf32, #tpu.memory_space<vmem>>, vector<16xf32>,
      tpu.vector_store %arg6[%swap3A_417, %swap3A_418], %gather3A_413 {strides = array<i32>} : memref<64x1024xf32, #tpu.memory_space<vmem>>, vector<16xf32>,
      %add3A_420 = arith.constant 19456 : i32
      %add3A_421 = vector.broadcast %add3A_420 : i32 to vector<16xi32>
      %add3A_422 = arith.addi %get3A_41, %add3A_421 : vector<16xi32>
      %gather3A_423 = tpu.vector_load_idx %arg7[%add3A_422] : memref<32768xf32, #tpu.memory_space<vmem>>[vector<16xi32>], vector<16xf32>,
      %mul3A_424 = arith.constant 16 : i32
      %mul3A_425 = arith.muli %scan3A_38, %mul3A_424 : i32
      %swap3A_426 = arith.constant 38 : i32
      %swap3A_427 = arith.index_cast %swap3A_426 : i32 to index
      %swap3A_428 = arith.index_cast %mul3A_425 : i32 to index
      %swap3A_429 = tpu.vector_load %arg6[%swap3A_427, %swap3A_428] {strides = array<i32>} : memref<64x1024xf32, #tpu.memory_space<vmem>>, vector<16xf32>,
      tpu.vector_store %arg6[%swap3A_427, %swap3A_428], %gather3A_423 {strides = array<i32>} : memref<64x1024xf32, #tpu.memory_space<vmem>>, vector<16xf32>,
      %add3A_430 = arith.constant 19968 : i32
      %add3A_431 = vector.broadcast %add3A_430 : i32 to vector<16xi32>
      %add3A_432 = arith.addi %get3A_41, %add3A_431 : vector<16xi32>
      %gather3A_433 = tpu.vector_load_idx %arg7[%add3A_432] : memref<32768xf32, #tpu.memory_space<vmem>>[vector<16xi32>], vector<16xf32>,
      %mul3A_434 = arith.constant 16 : i32
      %mul3A_435 = arith.muli %scan3A_38, %mul3A_434 : i32
      %swap3A_436 = arith.constant 39 : i32
      %swap3A_437 = arith.index_cast %swap3A_436 : i32 to index
      %swap3A_438 = arith.index_cast %mul3A_435 : i32 to index
      %swap3A_439 = tpu.vector_load %arg6[%swap3A_437, %swap3A_438] {strides = array<i32>} : memref<64x1024xf32, #tpu.memory_space<vmem>>, vector<16xf32>,
      tpu.vector_store %arg6[%swap3A_437, %swap3A_438], %gather3A_433 {strides = array<i32>} : memref<64x1024xf32, #tpu.memory_space<vmem>>, vector<16xf32>,
      %add3A_440 = arith.constant 20480 : i32
      %add3A_441 = vector.broadcast %add3A_440 : i32 to vector<16xi32>
      %add3A_442 = arith.addi %get3A_41, %add3A_441 : vector<16xi32>
      %gather3A_443 = tpu.vector_load_idx %arg7[%add3A_442] : memref<32768xf32, #tpu.memory_space<vmem>>[vector<16xi32>], vector<16xf32>,
      %mul3A_444 = arith.constant 16 : i32
      %mul3A_445 = arith.muli %scan3A_38, %mul3A_444 : i32
      %swap3A_446 = arith.constant 40 : i32
      %swap3A_447 = arith.index_cast %swap3A_446 : i32 to index
      %swap3A_448 = arith.index_cast %mul3A_445 : i32 to index
      %swap3A_449 = tpu.vector_load %arg6[%swap3A_447, %swap3A_448] {strides = array<i32>} : memref<64x1024xf32, #tpu.memory_space<vmem>>, vector<16xf32>,
      tpu.vector_store %arg6[%swap3A_447, %swap3A_448], %gather3A_443 {strides = array<i32>} : memref<64x1024xf32, #tpu.memory_space<vmem>>, vector<16xf32>,
      %add3A_450 = arith.constant 20992 : i32
      %add3A_451 = vector.broadcast %add3A_450 : i32 to vector<16xi32>
      %add3A_452 = arith.addi %get3A_41, %add3A_451 : vector<16xi32>
      %gather3A_453 = tpu.vector_load_idx %arg7[%add3A_452] : memref<32768xf32, #tpu.memory_space<vmem>>[vector<16xi32>], vector<16xf32>,
      %mul3A_454 = arith.constant 16 : i32
      %mul3A_455 = arith.muli %scan3A_38, %mul3A_454 : i32
      %swap3A_456 = arith.constant 41 : i32
      %swap3A_457 = arith.index_cast %swap3A_456 : i32 to index
      %swap3A_458 = arith.index_cast %mul3A_455 : i32 to index
      %swap3A_459 = tpu.vector_load %arg6[%swap3A_457, %swap3A_458] {strides = array<i32>} : memref<64x1024xf32, #tpu.memory_space<vmem>>, vector<16xf32>,
      tpu.vector_store %arg6[%swap3A_457, %swap3A_458], %gather3A_453 {strides = array<i32>} : memref<64x1024xf32, #tpu.memory_space<vmem>>, vector<16xf32>,
      %add3A_460 = arith.constant 21504 : i32
      %add3A_461 = vector.broadcast %add3A_460 : i32 to vector<16xi32>
      %add3A_462 = arith.addi %get3A_41, %add3A_461 : vector<16xi32>
      %gather3A_463 = tpu.vector_load_idx %arg7[%add3A_462] : memref<32768xf32, #tpu.memory_space<vmem>>[vector<16xi32>], vector<16xf32>,
      %mul3A_464 = arith.constant 16 : i32
      %mul3A_465 = arith.muli %scan3A_38, %mul3A_464 : i32
      %swap3A_466 = arith.constant 42 : i32
      %swap3A_467 = arith.index_cast %swap3A_466 : i32 to index
      %swap3A_468 = arith.index_cast %mul3A_465 : i32 to index
      %swap3A_469 = tpu.vector_load %arg6[%swap3A_467, %swap3A_468] {strides = array<i32>} : memref<64x1024xf32, #tpu.memory_space<vmem>>, vector<16xf32>,
      tpu.vector_store %arg6[%swap3A_467, %swap3A_468], %gather3A_463 {strides = array<i32>} : memref<64x1024xf32, #tpu.memory_space<vmem>>, vector<16xf32>,
      %add3A_470 = arith.constant 22016 : i32
      %add3A_471 = vector.broadcast %add3A_470 : i32 to vector<16xi32>
      %add3A_472 = arith.addi %get3A_41, %add3A_471 : vector<16xi32>
      %gather3A_473 = tpu.vector_load_idx %arg7[%add3A_472] : memref<32768xf32, #tpu.memory_space<vmem>>[vector<16xi32>], vector<16xf32>,
      %mul3A_474 = arith.constant 16 : i32
      %mul3A_475 = arith.muli %scan3A_38, %mul3A_474 : i32
      %swap3A_476 = arith.constant 43 : i32
      %swap3A_477 = arith.index_cast %swap3A_476 : i32 to index
      %swap3A_478 = arith.index_cast %mul3A_475 : i32 to index
      %swap3A_479 = tpu.vector_load %arg6[%swap3A_477, %swap3A_478] {strides = array<i32>} : memref<64x1024xf32, #tpu.memory_space<vmem>>, vector<16xf32>,
      tpu.vector_store %arg6[%swap3A_477, %swap3A_478], %gather3A_473 {strides = array<i32>} : memref<64x1024xf32, #tpu.memory_space<vmem>>, vector<16xf32>,
      %add3A_480 = arith.constant 22528 : i32
      %add3A_481 = vector.broadcast %add3A_480 : i32 to vector<16xi32>
      %add3A_482 = arith.addi %get3A_41, %add3A_481 : vector<16xi32>
      %gather3A_483 = tpu.vector_load_idx %arg7[%add3A_482] : memref<32768xf32, #tpu.memory_space<vmem>>[vector<16xi32>], vector<16xf32>,
      %mul3A_484 = arith.constant 16 : i32
      %mul3A_485 = arith.muli %scan3A_38, %mul3A_484 : i32
      %swap3A_486 = arith.constant 44 : i32
      %swap3A_487 = arith.index_cast %swap3A_486 : i32 to index
      %swap3A_488 = arith.index_cast %mul3A_485 : i32 to index
      %swap3A_489 = tpu.vector_load %arg6[%swap3A_487, %swap3A_488] {strides = array<i32>} : memref<64x1024xf32, #tpu.memory_space<vmem>>, vector<16xf32>,
      tpu.vector_store %arg6[%swap3A_487, %swap3A_488], %gather3A_483 {strides = array<i32>} : memref<64x1024xf32, #tpu.memory_space<vmem>>, vector<16xf32>,
      %add3A_490 = arith.constant 23040 : i32
      %add3A_491 = vector.broadcast %add3A_490 : i32 to vector<16xi32>
      %add3A_492 = arith.addi %get3A_41, %add3A_491 : vector<16xi32>
      %gather3A_493 = tpu.vector_load_idx %arg7[%add3A_492] : memref<32768xf32, #tpu.memory_space<vmem>>[vector<16xi32>], vector<16xf32>,
      %mul3A_494 = arith.constant 16 : i32
      %mul3A_495 = arith.muli %scan3A_38, %mul3A_494 : i32
      %swap3A_496 = arith.constant 45 : i32
      %swap3A_497 = arith.index_cast %swap3A_496 : i32 to index
      %swap3A_498 = arith.index_cast %mul3A_495 : i32 to index
      %swap3A_499 = tpu.vector_load %arg6[%swap3A_497, %swap3A_498] {strides = array<i32>} : memref<64x1024xf32, #tpu.memory_space<vmem>>, vector<16xf32>,
      tpu.vector_store %arg6[%swap3A_497, %swap3A_498], %gather3A_493 {strides = array<i32>} : memref<64x1024xf32, #tpu.memory_space<vmem>>, vector<16xf32>,
      %add3A_500 = arith.constant 23552 : i32
      %add3A_501 = vector.broadcast %add3A_500 : i32 to vector<16xi32>
      %add3A_502 = arith.addi %get3A_41, %add3A_501 : vector<16xi32>
      %gather3A_503 = tpu.vector_load_idx %arg7[%add3A_502] : memref<32768xf32, #tpu.memory_space<vmem>>[vector<16xi32>], vector<16xf32>,
      %mul3A_504 = arith.constant 16 : i32
      %mul3A_505 = arith.muli %scan3A_38, %mul3A_504 : i32
      %swap3A_506 = arith.constant 46 : i32
      %swap3A_507 = arith.index_cast %swap3A_506 : i32 to index
      %swap3A_508 = arith.index_cast %mul3A_505 : i32 to index
      %swap3A_509 = tpu.vector_load %arg6[%swap3A_507, %swap3A_508] {strides = array<i32>} : memref<64x1024xf32, #tpu.memory_space<vmem>>, vector<16xf32>,
      tpu.vector_store %arg6[%swap3A_507, %swap3A_508], %gather3A_503 {strides = array<i32>} : memref<64x1024xf32, #tpu.memory_space<vmem>>, vector<16xf32>,
      %add3A_510 = arith.constant 24064 : i32
      %add3A_511 = vector.broadcast %add3A_510 : i32 to vector<16xi32>
      %add3A_512 = arith.addi %get3A_41, %add3A_511 : vector<16xi32>
      %gather3A_513 = tpu.vector_load_idx %arg7[%add3A_512] : memref<32768xf32, #tpu.memory_space<vmem>>[vector<16xi32>], vector<16xf32>,
      %mul3A_514 = arith.constant 16 : i32
      %mul3A_515 = arith.muli %scan3A_38, %mul3A_514 : i32
      %swap3A_516 = arith.constant 47 : i32
      %swap3A_517 = arith.index_cast %swap3A_516 : i32 to index
      %swap3A_518 = arith.index_cast %mul3A_515 : i32 to index
      %swap3A_519 = tpu.vector_load %arg6[%swap3A_517, %swap3A_518] {strides = array<i32>} : memref<64x1024xf32, #tpu.memory_space<vmem>>, vector<16xf32>,
      tpu.vector_store %arg6[%swap3A_517, %swap3A_518], %gather3A_513 {strides = array<i32>} : memref<64x1024xf32, #tpu.memory_space<vmem>>, vector<16xf32>,
      %add3A_520 = arith.constant 24576 : i32
      %add3A_521 = vector.broadcast %add3A_520 : i32 to vector<16xi32>
      %add3A_522 = arith.addi %get3A_41, %add3A_521 : vector<16xi32>
      %gather3A_523 = tpu.vector_load_idx %arg7[%add3A_522] : memref<32768xf32, #tpu.memory_space<vmem>>[vector<16xi32>], vector<16xf32>,
      %mul3A_524 = arith.constant 16 : i32
      %mul3A_525 = arith.muli %scan3A_38, %mul3A_524 : i32
      %swap3A_526 = arith.constant 48 : i32
      %swap3A_527 = arith.index_cast %swap3A_526 : i32 to index
      %swap3A_528 = arith.index_cast %mul3A_525 : i32 to index
      %swap3A_529 = tpu.vector_load %arg6[%swap3A_527, %swap3A_528] {strides = array<i32>} : memref<64x1024xf32, #tpu.memory_space<vmem>>, vector<16xf32>,
      tpu.vector_store %arg6[%swap3A_527, %swap3A_528], %gather3A_523 {strides = array<i32>} : memref<64x1024xf32, #tpu.memory_space<vmem>>, vector<16xf32>,
      %add3A_530 = arith.constant 25088 : i32
      %add3A_531 = vector.broadcast %add3A_530 : i32 to vector<16xi32>
      %add3A_532 = arith.addi %get3A_41, %add3A_531 : vector<16xi32>
      %gather3A_533 = tpu.vector_load_idx %arg7[%add3A_532] : memref<32768xf32, #tpu.memory_space<vmem>>[vector<16xi32>], vector<16xf32>,
      %mul3A_534 = arith.constant 16 : i32
      %mul3A_535 = arith.muli %scan3A_38, %mul3A_534 : i32
      %swap3A_536 = arith.constant 49 : i32
      %swap3A_537 = arith.index_cast %swap3A_536 : i32 to index
      %swap3A_538 = arith.index_cast %mul3A_535 : i32 to index
      %swap3A_539 = tpu.vector_load %arg6[%swap3A_537, %swap3A_538] {strides = array<i32>} : memref<64x1024xf32, #tpu.memory_space<vmem>>, vector<16xf32>,
      tpu.vector_store %arg6[%swap3A_537, %swap3A_538], %gather3A_533 {strides = array<i32>} : memref<64x1024xf32, #tpu.memory_space<vmem>>, vector<16xf32>,
      %add3A_540 = arith.constant 25600 : i32
      %add3A_541 = vector.broadcast %add3A_540 : i32 to vector<16xi32>
      %add3A_542 = arith.addi %get3A_41, %add3A_541 : vector<16xi32>
      %gather3A_543 = tpu.vector_load_idx %arg7[%add3A_542] : memref<32768xf32, #tpu.memory_space<vmem>>[vector<16xi32>], vector<16xf32>,
      %mul3A_544 = arith.constant 16 : i32
      %mul3A_545 = arith.muli %scan3A_38, %mul3A_544 : i32
      %swap3A_546 = arith.constant 50 : i32
      %swap3A_547 = arith.index_cast %swap3A_546 : i32 to index
      %swap3A_548 = arith.index_cast %mul3A_545 : i32 to index
      %swap3A_549 = tpu.vector_load %arg6[%swap3A_547, %swap3A_548] {strides = array<i32>} : memref<64x1024xf32, #tpu.memory_space<vmem>>, vector<16xf32>,
      tpu.vector_store %arg6[%swap3A_547, %swap3A_548], %gather3A_543 {strides = array<i32>} : memref<64x1024xf32, #tpu.memory_space<vmem>>, vector<16xf32>,
      %add3A_550 = arith.constant 26112 : i32
      %add3A_551 = vector.broadcast %add3A_550 : i32 to vector<16xi32>
      %add3A_552 = arith.addi %get3A_41, %add3A_551 : vector<16xi32>
      %gather3A_553 = tpu.vector_load_idx %arg7[%add3A_552] : memref<32768xf32, #tpu.memory_space<vmem>>[vector<16xi32>], vector<16xf32>,
      %mul3A_554 = arith.constant 16 : i32
      %mul3A_555 = arith.muli %scan3A_38, %mul3A_554 : i32
      %swap3A_556 = arith.constant 51 : i32
      %swap3A_557 = arith.index_cast %swap3A_556 : i32 to index
      %swap3A_558 = arith.index_cast %mul3A_555 : i32 to index
      %swap3A_559 = tpu.vector_load %arg6[%swap3A_557, %swap3A_558] {strides = array<i32>} : memref<64x1024xf32, #tpu.memory_space<vmem>>, vector<16xf32>,
      tpu.vector_store %arg6[%swap3A_557, %swap3A_558], %gather3A_553 {strides = array<i32>} : memref<64x1024xf32, #tpu.memory_space<vmem>>, vector<16xf32>,
      %add3A_560 = arith.constant 26624 : i32
      %add3A_561 = vector.broadcast %add3A_560 : i32 to vector<16xi32>
      %add3A_562 = arith.addi %get3A_41, %add3A_561 : vector<16xi32>
      %gather3A_563 = tpu.vector_load_idx %arg7[%add3A_562] : memref<32768xf32, #tpu.memory_space<vmem>>[vector<16xi32>], vector<16xf32>,
      %mul3A_564 = arith.constant 16 : i32
      %mul3A_565 = arith.muli %scan3A_38, %mul3A_564 : i32
      %swap3A_566 = arith.constant 52 : i32
      %swap3A_567 = arith.index_cast %swap3A_566 : i32 to index
      %swap3A_568 = arith.index_cast %mul3A_565 : i32 to index
      %swap3A_569 = tpu.vector_load %arg6[%swap3A_567, %swap3A_568] {strides = array<i32>} : memref<64x1024xf32, #tpu.memory_space<vmem>>, vector<16xf32>,
      tpu.vector_store %arg6[%swap3A_567, %swap3A_568], %gather3A_563 {strides = array<i32>} : memref<64x1024xf32, #tpu.memory_space<vmem>>, vector<16xf32>,
      %add3A_570 = arith.constant 27136 : i32
      %add3A_571 = vector.broadcast %add3A_570 : i32 to vector<16xi32>
      %add3A_572 = arith.addi %get3A_41, %add3A_571 : vector<16xi32>
      %gather3A_573 = tpu.vector_load_idx %arg7[%add3A_572] : memref<32768xf32, #tpu.memory_space<vmem>>[vector<16xi32>], vector<16xf32>,
      %mul3A_574 = arith.constant 16 : i32
      %mul3A_575 = arith.muli %scan3A_38, %mul3A_574 : i32
      %swap3A_576 = arith.constant 53 : i32
      %swap3A_577 = arith.index_cast %swap3A_576 : i32 to index
      %swap3A_578 = arith.index_cast %mul3A_575 : i32 to index
      %swap3A_579 = tpu.vector_load %arg6[%swap3A_577, %swap3A_578] {strides = array<i32>} : memref<64x1024xf32, #tpu.memory_space<vmem>>, vector<16xf32>,
      tpu.vector_store %arg6[%swap3A_577, %swap3A_578], %gather3A_573 {strides = array<i32>} : memref<64x1024xf32, #tpu.memory_space<vmem>>, vector<16xf32>,
      %add3A_580 = arith.constant 27648 : i32
      %add3A_581 = vector.broadcast %add3A_580 : i32 to vector<16xi32>
      %add3A_582 = arith.addi %get3A_41, %add3A_581 : vector<16xi32>
      %gather3A_583 = tpu.vector_load_idx %arg7[%add3A_582] : memref<32768xf32, #tpu.memory_space<vmem>>[vector<16xi32>], vector<16xf32>,
      %mul3A_584 = arith.constant 16 : i32
      %mul3A_585 = arith.muli %scan3A_38, %mul3A_584 : i32
      %swap3A_586 = arith.constant 54 : i32
      %swap3A_587 = arith.index_cast %swap3A_586 : i32 to index
      %swap3A_588 = arith.index_cast %mul3A_585 : i32 to index
      %swap3A_589 = tpu.vector_load %arg6[%swap3A_587, %swap3A_588] {strides = array<i32>} : memref<64x1024xf32, #tpu.memory_space<vmem>>, vector<16xf32>,
      tpu.vector_store %arg6[%swap3A_587, %swap3A_588], %gather3A_583 {strides = array<i32>} : memref<64x1024xf32, #tpu.memory_space<vmem>>, vector<16xf32>,
      %add3A_590 = arith.constant 28160 : i32
      %add3A_591 = vector.broadcast %add3A_590 : i32 to vector<16xi32>
      %add3A_592 = arith.addi %get3A_41, %add3A_591 : vector<16xi32>
      %gather3A_593 = tpu.vector_load_idx %arg7[%add3A_592] : memref<32768xf32, #tpu.memory_space<vmem>>[vector<16xi32>], vector<16xf32>,
      %mul3A_594 = arith.constant 16 : i32
      %mul3A_595 = arith.muli %scan3A_38, %mul3A_594 : i32
      %swap3A_596 = arith.constant 55 : i32
      %swap3A_597 = arith.index_cast %swap3A_596 : i32 to index
      %swap3A_598 = arith.index_cast %mul3A_595 : i32 to index
      %swap3A_599 = tpu.vector_load %arg6[%swap3A_597, %swap3A_598] {strides = array<i32>} : memref<64x1024xf32, #tpu.memory_space<vmem>>, vector<16xf32>,
      tpu.vector_store %arg6[%swap3A_597, %swap3A_598], %gather3A_593 {strides = array<i32>} : memref<64x1024xf32, #tpu.memory_space<vmem>>, vector<16xf32>,
      %add3A_600 = arith.constant 28672 : i32
      %add3A_601 = vector.broadcast %add3A_600 : i32 to vector<16xi32>
      %add3A_602 = arith.addi %get3A_41, %add3A_601 : vector<16xi32>
      %gather3A_603 = tpu.vector_load_idx %arg7[%add3A_602] : memref<32768xf32, #tpu.memory_space<vmem>>[vector<16xi32>], vector<16xf32>,
      %mul3A_604 = arith.constant 16 : i32
      %mul3A_605 = arith.muli %scan3A_38, %mul3A_604 : i32
      %swap3A_606 = arith.constant 56 : i32
      %swap3A_607 = arith.index_cast %swap3A_606 : i32 to index
      %swap3A_608 = arith.index_cast %mul3A_605 : i32 to index
      %swap3A_609 = tpu.vector_load %arg6[%swap3A_607, %swap3A_608] {strides = array<i32>} : memref<64x1024xf32, #tpu.memory_space<vmem>>, vector<16xf32>,
      tpu.vector_store %arg6[%swap3A_607, %swap3A_608], %gather3A_603 {strides = array<i32>} : memref<64x1024xf32, #tpu.memory_space<vmem>>, vector<16xf32>,
      %add3A_610 = arith.constant 29184 : i32
      %add3A_611 = vector.broadcast %add3A_610 : i32 to vector<16xi32>
      %add3A_612 = arith.addi %get3A_41, %add3A_611 : vector<16xi32>
      %gather3A_613 = tpu.vector_load_idx %arg7[%add3A_612] : memref<32768xf32, #tpu.memory_space<vmem>>[vector<16xi32>], vector<16xf32>,
      %mul3A_614 = arith.constant 16 : i32
      %mul3A_615 = arith.muli %scan3A_38, %mul3A_614 : i32
      %swap3A_616 = arith.constant 57 : i32
      %swap3A_617 = arith.index_cast %swap3A_616 : i32 to index
      %swap3A_618 = arith.index_cast %mul3A_615 : i32 to index
      %swap3A_619 = tpu.vector_load %arg6[%swap3A_617, %swap3A_618] {strides = array<i32>} : memref<64x1024xf32, #tpu.memory_space<vmem>>, vector<16xf32>,
      tpu.vector_store %arg6[%swap3A_617, %swap3A_618], %gather3A_613 {strides = array<i32>} : memref<64x1024xf32, #tpu.memory_space<vmem>>, vector<16xf32>,
      %add3A_620 = arith.constant 29696 : i32
      %add3A_621 = vector.broadcast %add3A_620 : i32 to vector<16xi32>
      %add3A_622 = arith.addi %get3A_41, %add3A_621 : vector<16xi32>
      %gather3A_623 = tpu.vector_load_idx %arg7[%add3A_622] : memref<32768xf32, #tpu.memory_space<vmem>>[vector<16xi32>], vector<16xf32>,
      %mul3A_624 = arith.constant 16 : i32
      %mul3A_625 = arith.muli %scan3A_38, %mul3A_624 : i32
      %swap3A_626 = arith.constant 58 : i32
      %swap3A_627 = arith.index_cast %swap3A_626 : i32 to index
      %swap3A_628 = arith.index_cast %mul3A_625 : i32 to index
      %swap3A_629 = tpu.vector_load %arg6[%swap3A_627, %swap3A_628] {strides = array<i32>} : memref<64x1024xf32, #tpu.memory_space<vmem>>, vector<16xf32>,
      tpu.vector_store %arg6[%swap3A_627, %swap3A_628], %gather3A_623 {strides = array<i32>} : memref<64x1024xf32, #tpu.memory_space<vmem>>, vector<16xf32>,
      %add3A_630 = arith.constant 30208 : i32
      %add3A_631 = vector.broadcast %add3A_630 : i32 to vector<16xi32>
      %add3A_632 = arith.addi %get3A_41, %add3A_631 : vector<16xi32>
      %gather3A_633 = tpu.vector_load_idx %arg7[%add3A_632] : memref<32768xf32, #tpu.memory_space<vmem>>[vector<16xi32>], vector<16xf32>,
      %mul3A_634 = arith.constant 16 : i32
      %mul3A_635 = arith.muli %scan3A_38, %mul3A_634 : i32
      %swap3A_636 = arith.constant 59 : i32
      %swap3A_637 = arith.index_cast %swap3A_636 : i32 to index
      %swap3A_638 = arith.index_cast %mul3A_635 : i32 to index
      %swap3A_639 = tpu.vector_load %arg6[%swap3A_637, %swap3A_638] {strides = array<i32>} : memref<64x1024xf32, #tpu.memory_space<vmem>>, vector<16xf32>,
      tpu.vector_store %arg6[%swap3A_637, %swap3A_638], %gather3A_633 {strides = array<i32>} : memref<64x1024xf32, #tpu.memory_space<vmem>>, vector<16xf32>,
      %add3A_640 = arith.constant 30720 : i32
      %add3A_641 = vector.broadcast %add3A_640 : i32 to vector<16xi32>
      %add3A_642 = arith.addi %get3A_41, %add3A_641 : vector<16xi32>
      %gather3A_643 = tpu.vector_load_idx %arg7[%add3A_642] : memref<32768xf32, #tpu.memory_space<vmem>>[vector<16xi32>], vector<16xf32>,
      %mul3A_644 = arith.constant 16 : i32
      %mul3A_645 = arith.muli %scan3A_38, %mul3A_644 : i32
      %swap3A_646 = arith.constant 60 : i32
      %swap3A_647 = arith.index_cast %swap3A_646 : i32 to index
      %swap3A_648 = arith.index_cast %mul3A_645 : i32 to index
      %swap3A_649 = tpu.vector_load %arg6[%swap3A_647, %swap3A_648] {strides = array<i32>} : memref<64x1024xf32, #tpu.memory_space<vmem>>, vector<16xf32>,
      tpu.vector_store %arg6[%swap3A_647, %swap3A_648], %gather3A_643 {strides = array<i32>} : memref<64x1024xf32, #tpu.memory_space<vmem>>, vector<16xf32>,
      %add3A_650 = arith.constant 31232 : i32
      %add3A_651 = vector.broadcast %add3A_650 : i32 to vector<16xi32>
      %add3A_652 = arith.addi %get3A_41, %add3A_651 : vector<16xi32>
      %gather3A_653 = tpu.vector_load_idx %arg7[%add3A_652] : memref<32768xf32, #tpu.memory_space<vmem>>[vector<16xi32>], vector<16xf32>,
      %mul3A_654 = arith.constant 16 : i32
      %mul3A_655 = arith.muli %scan3A_38, %mul3A_654 : i32
      %swap3A_656 = arith.constant 61 : i32
      %swap3A_657 = arith.index_cast %swap3A_656 : i32 to index
      %swap3A_658 = arith.index_cast %mul3A_655 : i32 to index
      %swap3A_659 = tpu.vector_load %arg6[%swap3A_657, %swap3A_658] {strides = array<i32>} : memref<64x1024xf32, #tpu.memory_space<vmem>>, vector<16xf32>,
      tpu.vector_store %arg6[%swap3A_657, %swap3A_658], %gather3A_653 {strides = array<i32>} : memref<64x1024xf32, #tpu.memory_space<vmem>>, vector<16xf32>,
      %add3A_660 = arith.constant 31744 : i32
      %add3A_661 = vector.broadcast %add3A_660 : i32 to vector<16xi32>
      %add3A_662 = arith.addi %get3A_41, %add3A_661 : vector<16xi32>
      %gather3A_663 = tpu.vector_load_idx %arg7[%add3A_662] : memref<32768xf32, #tpu.memory_space<vmem>>[vector<16xi32>], vector<16xf32>,
      %mul3A_664 = arith.constant 16 : i32
      %mul3A_665 = arith.muli %scan3A_38, %mul3A_664 : i32
      %swap3A_666 = arith.constant 62 : i32
      %swap3A_667 = arith.index_cast %swap3A_666 : i32 to index
      %swap3A_668 = arith.index_cast %mul3A_665 : i32 to index
      %swap3A_669 = tpu.vector_load %arg6[%swap3A_667, %swap3A_668] {strides = array<i32>} : memref<64x1024xf32, #tpu.memory_space<vmem>>, vector<16xf32>,
      tpu.vector_store %arg6[%swap3A_667, %swap3A_668], %gather3A_663 {strides = array<i32>} : memref<64x1024xf32, #tpu.memory_space<vmem>>, vector<16xf32>,
      %add3A_670 = arith.constant 32256 : i32
      %add3A_671 = vector.broadcast %add3A_670 : i32 to vector<16xi32>
      %add3A_672 = arith.addi %get3A_41, %add3A_671 : vector<16xi32>
      %gather3A_673 = tpu.vector_load_idx %arg7[%add3A_672] : memref<32768xf32, #tpu.memory_space<vmem>>[vector<16xi32>], vector<16xf32>,
      %mul3A_674 = arith.constant 16 : i32
      %mul3A_675 = arith.muli %scan3A_38, %mul3A_674 : i32
      %swap3A_676 = arith.constant 63 : i32
      %swap3A_677 = arith.index_cast %swap3A_676 : i32 to index
      %swap3A_678 = arith.index_cast %mul3A_675 : i32 to index
      %swap3A_679 = tpu.vector_load %arg6[%swap3A_677, %swap3A_678] {strides = array<i32>} : memref<64x1024xf32, #tpu.memory_space<vmem>>, vector<16xf32>,
      tpu.vector_store %arg6[%swap3A_677, %swap3A_678], %gather3A_673 {strides = array<i32>} : memref<64x1024xf32, #tpu.memory_space<vmem>>, vector<16xf32>,
    }
    %scan3A_37 = arith.constant 64 : i32
    "tpu.region"() ({
      %run_scoped3A_38 = tpu.sem_alloc : memref<!tpu.dma_semaphore, #tpu.memory_space<semaphore_mem>>
      %dma_start3A = arith.constant 0 : i32
      %dma_start3A_39 = tpu.memref_slice %arg4[%select_n3A, %dma_start3A, %select_n3A_32] : memref<8x64x4096xf32, #tpu.memory_space<hbm>> -> memref<1x64x1024xf32, #tpu.memory_space<hbm>>
      %dma_start3A_40 = tpu.memref_squeeze %dma_start3A_39 : memref<1x64x1024xf32, #tpu.memory_space<hbm>> -> memref<64x1024xf32, #tpu.memory_space<hbm>>
      %dma_start3A_41 = arith.constant 0 : i32
      %dma_start3A_42 = tpu.memref_slice %arg4[%select_n3A, %dma_start3A_41, %select_n3A_32] : memref<8x64x4096xf32, #tpu.memory_space<hbm>> -> memref<1x64x1024xf32, #tpu.memory_space<hbm>>
      %dma_start3A_43 = tpu.memref_squeeze %dma_start3A_42 : memref<1x64x1024xf32, #tpu.memory_space<hbm>> -> memref<64x1024xf32, #tpu.memory_space<hbm>>
      tpu.enqueue_dma source(%arg6 : memref<64x1024xf32, #tpu.memory_space<vmem>>) target(%dma_start3A_43 : memref<64x1024xf32, #tpu.memory_space<hbm>>) target_semaphore(%run_scoped3A_38 : memref<!tpu.dma_semaphore, #tpu.memory_space<semaphore_mem>>)
      %dma_wait3A = arith.constant 0 : i32
      %dma_wait3A_44 = tpu.memref_slice %arg4[%select_n3A, %dma_wait3A, %select_n3A_32] : memref<8x64x4096xf32, #tpu.memory_space<hbm>> -> memref<1x64x1024xf32, #tpu.memory_space<hbm>>
      %dma_wait3A_45 = tpu.memref_squeeze %dma_wait3A_44 : memref<1x64x1024xf32, #tpu.memory_space<hbm>> -> memref<64x1024xf32, #tpu.memory_space<hbm>>
      %dma_wait3A_46 = arith.constant 0 : i32
      %dma_wait3A_47 = tpu.memref_slice %arg4[%select_n3A, %dma_wait3A_46, %select_n3A_32] : memref<8x64x4096xf32, #tpu.memory_space<hbm>> -> memref<1x64x1024xf32, #tpu.memory_space<hbm>>
      %dma_wait3A_48 = tpu.memref_squeeze %dma_wait3A_47 : memref<1x64x1024xf32, #tpu.memory_space<hbm>> -> memref<64x1024xf32, #tpu.memory_space<hbm>>
      tpu.wait_dma2 semaphore(%run_scoped3A_38 : memref<!tpu.dma_semaphore, #tpu.memory_space<semaphore_mem>>) src(%arg6 : memref<64x1024xf32, #tpu.memory_space<vmem>>) dst(%dma_wait3A_48 : memref<64x1024xf32, #tpu.memory_space<hbm>>)
      tpu.yield
    }) : () -> ()
    return
  }
}

module attributes {stable_mosaic.version = 14 : i64} {
  func.func @_vq_body(%arg0: i32, %arg1: i32, %arg2: memref<1x128x4096xf32, #tpu.memory_space<vmem>>, %arg3: memref<64x128xf32, #tpu.memory_space<vmem>>, %arg4: memref<64x1xf32, #tpu.memory_space<vmem>>, %arg5: memref<512x64xf32, #tpu.memory_space<vmem>>, %arg6: memref<8x512xf32, #tpu.memory_space<vmem>>, %arg7: memref<1x1x4096xi32, #tpu.memory_space<vmem>>, %arg8: memref<1x1xf32, #tpu.memory_space<vmem>>) attributes {dimension_semantics = [#tpu.dimension_semantics<arbitrary>, #tpu.dimension_semantics<arbitrary>], iteration_bounds = array<i64: 8, 1>, scalar_prefetch = 0 : i64, scratch_operands = 0 : i64, tpu.core_type = #tpu.core_type<tc>, window_params = [{transform_indices = @transform_0, window_bounds = array<i64: 1, 128, 4096>}, {pipeline_mode = #tpu.pipeline_mode<synchronous>, transform_indices = @transform_1, window_bounds = array<i64: 64, 128>}, {pipeline_mode = #tpu.pipeline_mode<synchronous>, transform_indices = @transform_2, window_bounds = array<i64: 64, 1>}, {pipeline_mode = #tpu.pipeline_mode<synchronous>, transform_indices = @transform_3, window_bounds = array<i64: 512, 64>}, {pipeline_mode = #tpu.pipeline_mode<synchronous>, transform_indices = @transform_4, window_bounds = array<i64: 8, 512>}, {transform_indices = @transform_5, window_bounds = array<i64: 1, 1, 4096>}, {pipeline_mode = #tpu.pipeline_mode<synchronous>, transform_indices = @transform_6, window_bounds = array<i64: 1, 1>}]} {
    %get3A = arith.constant 0 : index
    %get3A_0 = arith.constant 0 : index
    %get3A_1 = arith.constant 0 : index
    %get3A_2 = vector.load %arg2[%get3A, %get3A_0, %get3A_1] : memref<1x128x4096xf32, #tpu.memory_space<vmem>>, vector<1x128x4096xf32>
    %get3A_3 = vector.shape_cast %get3A_2 : vector<1x128x4096xf32> to vector<128x4096xf32>
    %get3A_4 = arith.constant 0 : index
    %get3A_5 = arith.constant 0 : index
    %get3A_6 = vector.load %arg3[%get3A_4, %get3A_5] : memref<64x128xf32, #tpu.memory_space<vmem>>, vector<64x128xf32>
    %dot_general3A = arith.constant dense<0.000000e+00> : vector<64x4096xf32>
    %dot_general3A_7 = tpu.matmul %get3A_6, %get3A_3, %dot_general3A {dimension_numbers = #tpu.dot_dimension_numbers<[1], [0], [0], [1], [0, 0, 1, 1], [], []>, transpose_lhs_hint = false} : vector<64x128xf32>, vector<128x4096xf32>, vector<64x4096xf32> -> vector<64x4096xf32>
    %get3A_8 = arith.constant 0 : index
    %get3A_9 = arith.constant 0 : index
    %get3A_10 = vector.load %arg4[%get3A_8, %get3A_9] : memref<64x1xf32, #tpu.memory_space<vmem>>, vector<64x1xf32>
    %add3A = vector.broadcast %get3A_10 : vector<64x1xf32> to vector<64x4096xf32>
    %add3A_11 = arith.addf %dot_general3A_7, %add3A : vector<64x4096xf32>
    %mul3A = arith.mulf %add3A_11, %add3A_11 : vector<64x4096xf32>
    %reduce_sum3A = arith.constant dense<0.000000e+00> : vector<4096xf32>
    %reduce_sum3A_12 = vector.multi_reduction <add>, %mul3A, %reduce_sum3A [0] : vector<64x4096xf32> to vector<4096xf32>
    %broadcast_in_dim3A = vector.shape_cast %reduce_sum3A_12 : vector<4096xf32> to vector<1x4096xf32>
    %get3A_13 = arith.constant 0 : index
    %get3A_14 = arith.constant 0 : index
    %get3A_15 = vector.load %arg5[%get3A_13, %get3A_14] : memref<512x64xf32, #tpu.memory_space<vmem>>, vector<512x64xf32>
    %mul3A_16 = arith.mulf %get3A_15, %get3A_15 : vector<512x64xf32>
    %reduce_sum3A_17 = arith.constant dense<0.000000e+00> : vector<512xf32>
    %reduce_sum3A_18 = vector.multi_reduction <add>, %mul3A_16, %reduce_sum3A_17 [1] : vector<512x64xf32> to vector<512xf32>
    %broadcast_in_dim3A_19 = vector.shape_cast %reduce_sum3A_18 : vector<512xf32> to vector<512x1xf32>
    %mul3A_20 = arith.constant 2.500000e-01 : f32
    %mul3A_21 = vector.broadcast %mul3A_20 : f32 to vector<512x1xf32>
    %mul3A_22 = arith.mulf %broadcast_in_dim3A_19, %mul3A_21 : vector<512x1xf32>
    %dot_general3A_23 = arith.constant dense<0.000000e+00> : vector<512x4096xf32>
    %dot_general3A_24 = tpu.matmul %get3A_15, %add3A_11, %dot_general3A_23 {dimension_numbers = #tpu.dot_dimension_numbers<[1], [0], [0], [1], [0, 0, 1, 1], [], []>, transpose_lhs_hint = false} : vector<512x64xf32>, vector<64x4096xf32>, vector<512x4096xf32> -> vector<512x4096xf32>
    %add3A_25 = vector.broadcast %broadcast_in_dim3A : vector<1x4096xf32> to vector<512x4096xf32>
    %add3A_26 = arith.addf %add3A_25, %dot_general3A_24 : vector<512x4096xf32>
    %add3A_27 = vector.broadcast %mul3A_22 : vector<512x1xf32> to vector<512x4096xf32>
    %add3A_28 = arith.addf %add3A_26, %add3A_27 : vector<512x4096xf32>
    %reduce_min3A = arith.constant dense<0x7F800000> : vector<4096xf32>
    %reduce_min3A_29 = vector.multi_reduction <minimumf>, %add3A_28, %reduce_min3A [0] : vector<512x4096xf32> to vector<4096xf32>
    %broadcast_in_dim3A_30 = vector.shape_cast %reduce_min3A_29 : vector<4096xf32> to vector<1x4096xf32>
    %eq3A = vector.broadcast %broadcast_in_dim3A_30 : vector<1x4096xf32> to vector<512x4096xf32>
    %eq3A_31 = arith.cmpf oeq, %add3A_28, %eq3A : vector<512x4096xf32>
    %convert_element_type3A = arith.extui %eq3A_31 : vector<512x4096xi1> to vector<512x4096xi32>
    %convert_element_type3A_32 = arith.sitofp %convert_element_type3A : vector<512x4096xi32> to vector<512x4096xf32>
    %get3A_33 = arith.constant 0 : index
    %get3A_34 = arith.constant 0 : index
    %get3A_35 = vector.load %arg6[%get3A_33, %get3A_34] : memref<8x512xf32, #tpu.memory_space<vmem>>, vector<8x512xf32>
    %dot_general3A_36 = arith.constant dense<0.000000e+00> : vector<8x4096xf32>
    %dot_general3A_37 = tpu.matmul %get3A_35, %convert_element_type3A_32, %dot_general3A_36 {dimension_numbers = #tpu.dot_dimension_numbers<[1], [0], [0], [1], [0, 0, 1, 1], [], []>, transpose_lhs_hint = false} : vector<8x512xf32>, vector<512x4096xf32>, vector<8x4096xf32> -> vector<8x4096xf32>
    %slice3A = vector.extract_strided_slice %dot_general3A_37 {offsets = [0, 0], sizes = [1, 4096], strides = [1, 1]} : vector<8x4096xf32> to vector<1x4096xf32>
    %mul3A_38 = arith.constant 2.000000e+00 : f32
    %mul3A_39 = vector.broadcast %mul3A_38 : f32 to vector<1x4096xf32>
    %mul3A_40 = arith.mulf %mul3A_39, %slice3A : vector<1x4096xf32>
    %slice3A_41 = vector.extract_strided_slice %dot_general3A_37 {offsets = [1, 0], sizes = [1, 4096], strides = [1, 1]} : vector<8x4096xf32> to vector<1x4096xf32>
    %add3A_42 = arith.addf %mul3A_40, %slice3A_41 : vector<1x4096xf32>
    %convert_element_type3A_43 = arith.fptosi %add3A_42 : vector<1x4096xf32> to vector<1x4096xi32>
    %swap3A = arith.constant 0 : index
    %swap3A_44 = arith.constant 0 : index
    %swap3A_45 = arith.constant 0 : index
    %swap3A_46 = vector.load %arg7[%swap3A, %swap3A_44, %swap3A_45] : memref<1x1x4096xi32, #tpu.memory_space<vmem>>, vector<1x1x4096xi32>
    %swap3A_47 = vector.shape_cast %swap3A_46 : vector<1x1x4096xi32> to vector<1x4096xi32>
    %swap3A_48 = vector.shape_cast %convert_element_type3A_43 : vector<1x4096xi32> to vector<1x1x4096xi32>
    tpu.vector_store %arg7[%swap3A, %swap3A_44, %swap3A_45], %swap3A_48 {strides = array<i32>} : memref<1x1x4096xi32, #tpu.memory_space<vmem>>, vector<1x1x4096xi32>,
    %eq3A_49 = arith.constant 0 : i32
    %eq3A_50 = arith.cmpi eq, %arg0, %eq3A_49 : i32
    %eq3A_51 = arith.constant 0 : i32
    %eq3A_52 = arith.cmpi eq, %arg1, %eq3A_51 : i32
    %and3A = arith.andi %eq3A_50, %eq3A_52 : i1
    %convert_element_type3A_53 = arith.extui %and3A : i1 to i32
    %cond3A = arith.constant 0 : i32
    %cond3A_54 = arith.cmpi ne, %convert_element_type3A_53, %cond3A : i32
    scf.if %cond3A_54 {
      %broadcast_in_dim3A_67 = arith.constant 0.000000e+00 : f32
      %broadcast_in_dim3A_68 = vector.broadcast %broadcast_in_dim3A_67 : f32 to vector<1x1xf32>
      %swap3A_69 = arith.constant 0 : index
      %swap3A_70 = arith.constant 0 : index
      %swap3A_71 = vector.load %arg8[%swap3A_69, %swap3A_70] : memref<1x1xf32, #tpu.memory_space<vmem>>, vector<1x1xf32>
      tpu.vector_store %arg8[%swap3A_69, %swap3A_70], %broadcast_in_dim3A_68 {strides = array<i32>} : memref<1x1xf32, #tpu.memory_space<vmem>>, vector<1x1xf32>,
    } else {
    }
    %get3A_55 = arith.constant 0 : index
    %get3A_56 = arith.constant 0 : index
    %get3A_57 = vector.load %arg8[%get3A_55, %get3A_56] : memref<1x1xf32, #tpu.memory_space<vmem>>, vector<1x1xf32>
    %reduce_sum3A_58 = vector.shape_cast %broadcast_in_dim3A_30 : vector<1x4096xf32> to vector<1x1x4096xf32>
    %reduce_sum3A_59 = arith.constant dense<0.000000e+00> : vector<1xf32>
    %reduce_sum3A_60 = vector.multi_reduction <add>, %reduce_sum3A_58, %reduce_sum3A_59 [1, 2] : vector<1x1x4096xf32> to vector<1xf32>
    %reduce_sum3A_61 = vector.shape_cast %reduce_sum3A_60 : vector<1xf32> to vector<1x1x1xf32>
    %reduce_sum3A_62 = vector.extract %reduce_sum3A_61[0, 0, 0] : f32 from vector<1x1x1xf32>
    %reshape3A = vector.broadcast %reduce_sum3A_62 : f32 to vector<1x1xf32>
    %add3A_63 = arith.addf %get3A_57, %reshape3A : vector<1x1xf32>
    %swap3A_64 = arith.constant 0 : index
    %swap3A_65 = arith.constant 0 : index
    %swap3A_66 = vector.load %arg8[%swap3A_64, %swap3A_65] : memref<1x1xf32, #tpu.memory_space<vmem>>, vector<1x1xf32>
    tpu.vector_store %arg8[%swap3A_64, %swap3A_65], %add3A_63 {strides = array<i32>} : memref<1x1xf32, #tpu.memory_space<vmem>>, vector<1x1xf32>,
    return
  }
  func.func @transform_0(%arg0: i32, %arg1: i32) -> (i32, i32, i32) {
    %c0_i32 = arith.constant 0 : i32
    %c0_i32_0 = arith.constant 0 : i32
    return %arg0, %c0_i32, %arg1 : i32, i32, i32
  }
  func.func @transform_1(%arg0: i32, %arg1: i32) -> (i32, i32) {
    %c0_i32 = arith.constant 0 : i32
    %c0_i32_0 = arith.constant 0 : i32
    %c0_i32_1 = arith.constant 0 : i32
    return %c0_i32, %c0_i32_0 : i32, i32
  }
  func.func @transform_2(%arg0: i32, %arg1: i32) -> (i32, i32) {
    %c0_i32 = arith.constant 0 : i32
    %c0_i32_0 = arith.constant 0 : i32
    %c0_i32_1 = arith.constant 0 : i32
    return %c0_i32, %c0_i32_0 : i32, i32
  }
  func.func @transform_3(%arg0: i32, %arg1: i32) -> (i32, i32) {
    %c0_i32 = arith.constant 0 : i32
    %c0_i32_0 = arith.constant 0 : i32
    %c0_i32_1 = arith.constant 0 : i32
    return %c0_i32, %c0_i32_0 : i32, i32
  }
  func.func @transform_4(%arg0: i32, %arg1: i32) -> (i32, i32) {
    %c0_i32 = arith.constant 0 : i32
    %c0_i32_0 = arith.constant 0 : i32
    %c0_i32_1 = arith.constant 0 : i32
    return %c0_i32, %c0_i32_0 : i32, i32
  }
  func.func @transform_5(%arg0: i32, %arg1: i32) -> (i32, i32, i32) {
    %c0_i32 = arith.constant 0 : i32
    %c0_i32_0 = arith.constant 0 : i32
    return %arg0, %c0_i32, %arg1 : i32, i32, i32
  }
  func.func @transform_6(%arg0: i32, %arg1: i32) -> (i32, i32) {
    %c0_i32 = arith.constant 0 : i32
    %c0_i32_0 = arith.constant 0 : i32
    %c0_i32_1 = arith.constant 0 : i32
    return %c0_i32, %c0_i32_0 : i32, i32
  }
}

</mosaic_0001>

<sc_bundles>
// kernel: kernel.4.cloned.1.call-start
scs
__scs_entry_jumppad:
0x0: {  	(pc) =	sbr.rel $0x88, $3  }
0x1: {  	(tag) =	ssettag $0x0;
	lr =	simm.s32 $0x1  }
0x2: {  	[smem:$0x3F9D] =	sst lr;
	_ =	strace $0xD0000000  }
0x3: {  	_ = 	snop  }
0x4: {  	_ = 	snop  }
0x5: {  	_ = 	snop  }
0x6: {  	_ = 	snop  }
0x7: {  	_ = 	snop  }
__scs_overlays_trampoline_lowered:
0x8: {  	[smem:$0x3FAC] =	sst s0  }
0x9: {  	[smem:$0x3FAD] =	sst s1  }
0xa: {  	[smem:$0x3FAE] =	sst s2  }
0xb: {  	[smem:$0x3FAF] =	sst s3  }
0xc: {  	[smem:$0x3FB0] =	sst s4  }
0xd: {  	[smem:$0x3FB1] =	sst s5  }
0xe: {  	[smem:$0x3FB2] =	sst s6  }
0xf: {  	[smem:$0x3FB3] =	sst s7  }
0x10: {  	[smem:$0x3FB4] =	sst s8  }
0x11: {  	[smem:$0x3FB5] =	sst s9;
	s0 =	simm.s32 @!p0 $0x0  }
0x12: {  	s1 =	sld [smem:$0x3F9B];
	s0 =	simm.s32 @p0 $0x1  }
0x13: {  	[smem:$0x3FB6] =	sst s0;
	s0 =	simm.s32 @!p1 $0x0  }
0x14: {  	s2 =	sld [smem:$0x3F9A];
	s0 =	simm.s32 @p1 $0x1  }
0x15: {  	[smem:$0x3FB7] =	sst s0;
	s0 =	simm.s32 @!p2 $0x0  }
0x16: {  	s3 =	sld [smem:$0x3FDB];
	s0 =	simm.s32 @p2 $0x1  }
0x17: {  	s4 =	simm.s32 $0x1BF5;
	[smem:$0x3FB9] =	sst s0  }
0x18: {  	s0 =	sld [smem:$0x3F9C];
	_ =	swait.ge [sflag:s4], $0x0  }
0x19: {  	s7 =	sld [smem:$0x3F9D]  }
0x1a: {  	s8 =	sadd.s32 $0xFFFFE003, lr  }
0x1b: {  	s9 =	sadd.s32 $0xFFFFFEF7, lr;
	s5 =	simm.s32 $0xFFFFFFFF;
	p2 =	slt.u32 s8, $0xFFFFF086  }
0x1c: {  	p1 =	slt.u32 s9, $0xF7A;
	s5 =	simm.s32 @!p2 $0x0  }
0x1d: {  	s5 =	simm.s32 @p1 $0x1;
	p0 =	seq.s32 s7, s2  }
0x1e: {  	s7 =	smul.u32 @!p0 $0xF7A, s2;
	p2 =	seq.s32 @!p0 s5, $0x0  }
0x1f: {  	s9 =	smul.u32 $0xF7A, s1;
	s8 =	simm.s32 @!p0 $0x1BF5;
	p2 =	por !p2, p0  }
0x20: {  	[sflag:s8] =	ssyncset.s32 @!p0 $0xFFFFF086;
	s6 =	sadd.s32 @!p0 s3, s7;
	s7 =	simm.s32 @!p0 $0x108  }
0x21: {  	s3 =	sadd.s32 s3, s9;
	s6 =	sadd.s32 @!p0 $0x88, s6;
	s7 =	simm.s32 @p2 $0x1082  }
0x22: {  	[simem:s7], [sflag:s8] =	dma.local @!p0 [hbm:s6], $0xF7A  }
0x23: {  	s9 =	sor.u32 $0xD0000000, s2;
	s6 =	simm.s32 $0x108;
	_ =	swait.ge @!p0 [sflag:s8], $0x0  }
0x24: {  	s3 =	sadd.s32 $0x88, s3;
	s6 =	simm.s32 @!p1 $0x1082;
	[sflag:s4] =	ssyncset.s32 $0xFFFFF086  }
0x25: {  	[simem:s6], [sflag:s4] =	dma.local [hbm:s3], $0xF7A  }
0x26: {  	[smem:$0x3F9D] =	sst s1;
	(tag) =	ssettag s2;
	_ =	strace s9  }
0x27: {  	s1 =	sld [smem:$0x3FAD]  }
0x28: {  	s2 =	sld [smem:$0x3FAE]  }
0x29: {  	s4 =	sld [smem:$0x3FB0]  }
0x2a: {  	p0 =	seq.s32 s5, $0x0;
	s5 =	sld [smem:$0x3FB1]  }
0x2b: {  	s6 =	sld [smem:$0x3FB2]  }
0x2c: {  	s7 =	sld [smem:$0x3FB3]  }
0x2d: {  	s3 =	simm.s32 $0x108;
	s8 =	sld [smem:$0x3FB4]  }
0x2e: {  	s3 =	simm.s32 @!p0 $0x1082;
	s9 =	sld [smem:$0x3FB5]  }
0x2f: {  	lr =	sadd.s32 s0, s3;
	s0 =	sld [smem:$0x3FAC]  }
0x30: {  	s3 =	sld [smem:$0x3FAF]  }
0x31: {  	[smem:$0x3FB8] =	sst s10  }
0x32: {  	s10 =	sld [smem:$0x3FB6];
	_ =	sdelay $0x3  }
0x33: {  	p0 =	seq.s32 s10, $0x1;
	s10 =	sld [smem:$0x3FB8];
	_ =	sdelay $0x3  }
0x34: {  	[smem:$0x3FB8] =	sst s10  }
0x35: {  	s10 =	sld [smem:$0x3FB7];
	_ =	sdelay $0x3  }
0x36: {  	p1 =	seq.s32 s10, $0x1;
	s10 =	sld [smem:$0x3FB8];
	_ =	sdelay $0x3  }
0x37: {  	[smem:$0x3FB8] =	sst s10  }
0x38: {  	s10 =	sld [smem:$0x3FB9]  }
0x39: {  	_ = 	snop;
	(pc) =	sbr.ind lr, $3  }
0x3a: {  	_ = 	snop  }
0x3b: {  	_ = 	snop  }
0x3c: {  	p2 =	seq.s32 s10, $0x1;
	s10 =	sld [smem:$0x3FB8]  }
0x3d: {  	_ =	shalt  }
0x3e: {  	_ =	shalt  }
0x3f: {  	_ =	shalt  }
0x40: {  	_ =	shalt  }
0x41: {  	_ =	shalt  }
0x42: {  	_ =	shalt  }
0x43: {  	_ =	shalt  }
0x44: {  	_ =	shalt  }
0x45: {  	_ =	shalt  }
0x46: {  	_ =	shalt  }
0x47: {  	_ =	shalt  }
0x48: {  	_ =	shalt  }
0x49: {  	_ =	shalt  }
0x4a: {  	_ =	shalt  }
0x4b: {  	_ =	shalt  }
0x4c: {  	_ =	shalt  }
0x4d: {  	_ =	shalt  }
0x4e: {  	_ =	shalt  }
0x4f: {  	_ =	shalt  }
0x50: {  	_ =	shalt  }
0x51: {  	_ =	shalt  }
0x52: {  	_ =	shalt  }
0x53: {  	_ =	shalt  }
0x54: {  	_ =	shalt  }
0x55: {  	_ =	shalt  }
0x56: {  	_ =	shalt  }
0x57: {  	_ =	shalt  }
0x58: {  	_ =	shalt  }
0x59: {  	_ =	shalt  }
0x5a: {  	_ =	shalt  }
0x5b: {  	_ =	shalt  }
0x5c: {  	_ =	shalt  }
0x5d: {  	_ =	shalt  }
0x5e: {  	_ =	shalt  }
0x5f: {  	_ =	shalt  }
0x60: {  	_ =	shalt  }
0x61: {  	_ =	shalt  }
0x62: {  	_ =	shalt  }
0x63: {  	_ =	shalt  }
0x64: {  	_ =	shalt  }
0x65: {  	_ =	shalt  }
0x66: {  	_ =	shalt  }
0x67: {  	_ =	shalt  }
0x68: {  	_ =	shalt  }
0x69: {  	_ =	shalt  }
0x6a: {  	_ =	shalt  }
0x6b: {  	_ =	shalt  }
0x6c: {  	_ =	shalt  }
0x6d: {  	_ =	shalt  }
0x6e: {  	_ =	shalt  }
0x6f: {  	_ =	shalt  }
0x70: {  	_ =	shalt  }
0x71: {  	_ =	shalt  }
0x72: {  	_ =	shalt  }
0x73: {  	_ =	shalt  }
0x74: {  	_ =	shalt  }
0x75: {  	_ =	shalt  }
0x76: {  	_ =	shalt  }
0x77: {  	_ =	shalt  }
0x78: {  	_ =	shalt  }
0x79: {  	_ =	shalt  }
0x7a: {  	_ =	shalt  }
0x7b: {  	_ =	shalt  }
0x7c: {  	_ =	shalt  }
0x7d: {  	_ =	shalt  }
0x7e: {  	_ =	shalt  }
0x7f: {  	_ =	shalt  }
0x80: {  	_ =	shalt  }
0x81: {  	_ =	shalt  }
0x82: {  	_ =	shalt  }
0x83: {  	_ =	shalt  }
0x84: {  	_ =	shalt  }
0x85: {  	_ =	shalt  }
0x86: {  	_ =	shalt  }
0x87: {  	_ =	shalt  }
.Lfunc_end0:
.L_simem_size_0:
called_computation_lowered:
.L_overlay_start_0:
0x88: {  	s2 =	sld [smem:$0x3FD9]  }
0x89: {  	s3 =	sld [smem:$0x3FFE];
	_ =	sdelay $0x1  }
0x8a: {  	s1 =	srdreg.scid  }
0x8b: {  	s0 =	sand.u32 $0x1, s1  }
0x8c: {  	s14 =	sshll.u32 s0, $0xA;
	s2 =	sadd.s32 s3, s2  }
0x8d: {  	s2 =	sadd.s32 s2, s14  }
0x8e: {  	[smem:$0x3FC4] =	sst s2  }
0x8f: {  	_ = 	snop  }
0x90: {  	s2 =	sld [smem:$0x3FD0];
	_ =	sdelay $0x2  }
0x91: {  	s15 =	simm.s32 $0xA;
	s4 =	simm.s32 $0x10  }
0x92: {  	[smem:s4], [sflag:s15] =	dma.local [hbm:s2], $0x1  }
0x93: {  	_ =	swait.eq [sflag:s15], $0x1  }
0x94: {  	[sflag:s15] =	ssyncset.done $0x0  }
0x95: {  	[sflag:s15] =	ssyncadd.s32 $0xFFFFFFFF  }
0x96: {  	s16 =	sld [smem:$0x10];
	(tm) =	ssettm $0x1  }
0x97: {  	s17 =	sld [smem:$0x3FFB];
	_ =	sdelay $0x3  }
0x98: {  	_ =	strace s17  }
0x99: {  	s3 =	sld [smem:$0x3FFC];
	_ =	sdelay $0x3  }
0x9a: {  	_ =	strace s3  }
0x9b: {  	s3 =	sld [smem:$0x3FFD];
	_ =	sdelay $0x3  }
0x9c: {  	_ =	strace s3  }
0x9d: {  	_ =	strace $0x8FFFFFFF  }
0x9e: {  	s18 =	sld [smem:$0x3FDB];
	_ =	sdelay $0x1  }
0x9f: {  	s19 =	simm.s32 $_scs_section_size  }
0xa0: {  	s5 =	simm.s32 $_size__tile_overlayer_lowered;
	s6 =	simm.s32 $_tile_overlayer_lowered  }
0xa1: {  	s22 =	simm.s32 $0x1BFF;
	s21 =	sshll.u32 s6, $0x1;
	s3 =	sadd.s32 s19, s18  }
0xa2: {  	s7 =	simm.s32 $0x0;
	s20 =	sshll.u32 s5, $0x1;
	s5 =	sadd.s32 s21, s3  }
0xa3: {  	[timem:s7], [sflag:s22] =	dma.local [hbm:s5], s20  }
0xa4: {  	_ =	swait.ge [sflag:s22], s20  }
0xa5: {  	s4 =	ssub.s32 $0x0, s20;
	[sflag:s22] =	ssyncset.done $0x0  }
0xa6: {  	[sflag:s22] =	ssyncadd.s32 s4;
	_ =	sdelay $0x1  }
0xa7: {  	s23 =	simm.s32 $0x1B8B  }
0xa8: {  	_ =	swait.ge [sflag:s23], $0x1  }
0xa9: {  	[sflag:s23] =	ssyncset.done $0x0  }
0xaa: {  	s25 =	simm.s32 $0x1B8E;
	s24 =	sld [smem:$0x3FFE];
	[sflag:s23] =	ssyncadd.s32 $0xFFFFFFFF  }
0xab: {  	s26 =	simm.s32 $execute0_lowered;
	[smem:$0x3FD2] =	sst s25  }
0xac: {  	s5 =	sshll.u32 s26, $0x1;
	_ =	strace $0x80000046;
	[dreg:$0x1] =	wrdreg $0xFFFFFFFF  }
0xad: {  	s28 =	simm.s32 $_size_execute0_lowered;
	s3 =	sadd.s32 s3, s5;
	[dreg:$0x0] =	wrdreg $0x0  }
0xae: {  	s5 =	sshll.u32 s28, $0x1;
	[dreg:$0x2] =	wrdreg s3  }
0xaf: {  	[dreg:$0x3] =	wrdreg s5  }
0xb0: {  	[dreg:$0x4] =	wrdreg $0xC0  }
0xb1: {  	_ =	task [dreg:s7], $0x5FFFF  }
0xb2: {  	[dreg:$0x1] =	wrdreg $0xFFFFFFFF  }
0xb3: {  	[dreg:$0x0] =	wrdreg $0x60  }
0xb4: {  	[dreg:$0x2] =	wrdreg s16  }
0xb5: {  	[dreg:$0x3] =	wrdreg s24  }
0xb6: {  	[dreg:$0x4] =	wrdreg $0x9  }
0xb7: {  	_ =	task.clear_ibuf [dreg:s7], $0x5FFFF;
	_ =	strace $0x90000046  }
0xb8: {  	s29 =	simm.s32 $0x9;
	_ =	strace $0x80000048  }
0xb9: {  	_ =	swait.ge [sflag:s29], $0x1  }
0xba: {  	[sflag:s29] =	ssyncadd.s32 $0xFFFFFFFF  }
0xbb: {  	_ =	strace $0x90000048  }
0xbc: {  	_ =	sfence  }
0xbd: {  	s30 =	sld [smem:$0x0];
	_ =	sdelay $0x2  }
0xbe: {  	s31 =	sshll.u32 s1, $0xD;
	s1 =	sshrl.u32 s1, $0x2  }
0xbf: {  	s3 =	sand.u32 $0x4000, s31;
	s1 =	sadd.s32 s1, s30  }
0xc0: {  	s0 =	sor.u32 s3, s0;
	s1 =	sshll.u32 s1, $0x11  }
0xc1: {  	s0 =	sor.u32 s1, s0  }
0xc2: {  	s0 =	sadd.s32 $0x8F2B, s0  }
0xc3: {  	[sflag:s0] =	ssyncadd.remote.s32 $0x1  }
0xc4: {  	_ =	sfence.sel $0xFFFF  }
0xc5: {  	[dreg:$0x0] =	wrdreg $0xFFFFFFFF;
	(pc) =	sbr.abs _section_cstart, $3  }
0xc6: {  	[dreg:$0x1] =	wrdreg $0xFFFFFFFF  }
0xc7: {  	_ =	task.clear_ibuf [dreg:s7], $0x2FFFF;
	_ =	strace $0x9FFFFFFF  }
0xc8: {  	(tm) =	ssettm $0x7FFFFFFF  }
0xc9: {  	_ =	shalt  }
tec
execute0_lowered:
.L_overlay_start_1:
0x0: {  	(tag) =	ssettag $0x1  }
0x1: {  	s1 =	rddreg [dreg:$0x0]  }
0x2: {  	s4 =	rddreg [dreg:$0x1]  }
0x3: {  	s0 =	rddreg [dreg:$0x2]  }
0x4: {  	s3 =	simm.s32 $0x0;
	s5 =	srdreg.scid;
	s2 =	stileid.u32  }
0x5: {  	s10 =	simm.s32 $0x8000;
	s11 =	simm.s32 $0x400;
	s12 =	simm.s32 $0x0  }
0x6: {  	[smem:$0x7FF] =	sst s3;
	s5 =	sand.u32 $0x1, s5;
	s6 =	sshll.u32 s2, $0xB  }
0x7: {  	s29 =	sshll.u32 s2, $0xE;
	_ =	strace $0x80000047;
	s7 =	sshll.u32 s5, $0xA  }
0x8: {  	s8 =	sand.u32 $0x800, s6;
	s6 =	sand.u32 $0x7000, s6;
	s5 =	ssub.s32 $0x2, s5  }
0x9: {  	s7 =	sor.u32 s7, s8;
	s8 =	sand.u32 $0x38000, s29;
	s9 =	sshrl.u32 s5, $0x1  }
0xa: {  	s6 =	sor.u32 s6, s7;
	s8 =	sadd.s32 s8, s4;
	s30 =	ssub.s32 s5, s9  }
0xb: {  	s9 =	simm.s32 $0x2000;
	s6 =	sshrl.u32 s6, $0x3;
	s31 =	sadd.s32 s7, s8  }
0xc: {  	s7 =	simm.s32 $0x1;
	s8 =	simm.s32 $0x10400;
	s4 =	sadd.s32 s6, s4  }
0xd: {  	s5 =	sadd.s32 $0x1E00, s31;
	s6 =	smax.u32 s30, $0x1;
	s4 =	sadd.s32 $0xE00, s4  }
.LBB2_1:
0xe: {  	[tilespmem:s3], [sflag:$0x1] =	stream.linear.gather [hbm4b:s4+s3], $0x400, $0x38;
	[tilespmem:$0x18400] =	vst v63  }
0xf: {  	_ =	swait.ge [sflag:s7], $0x400  }
0x10: {  	[sflag:s7] =	ssyncset.done $0x0  }
0x11: {  	[sflag:s7] =	ssyncadd.s32 $0xFFFFFC00  }
0x12: {  	[tilespmem:s8], [sflag:$0x1] =	stream.linear.gather [hbm4b:s1+s3], $0x8000, $0x38;
	[tilespmem:$0x18400] =	vst v63  }
0x13: {  	_ =	swait.ge [sflag:s7], $0x8000  }
0x14: {  	s13 =	simm.s32 $0x0;
	[sflag:s7] =	ssyncset.done $0x0  }
0x15: {  	s14 =	simm.s32 $0x0;
	s15 =	simm.s32 $0x0;
	[sflag:s7] =	ssyncadd.s32 $0xFFFF8000  }
.LBB2_2:
0x16: {  	v0 =	vld [tilespmem:s13+$0x0];
	_ =	sdelay $0x7  }
0x17: {  	v1 =	vld.idx.msk [tilespmem:v0+s8+$0x0], $0xffff  }
0x18: {  	v2 =	vadd.s32 $0x200, v0;
	_ =	sdelay $0x1  }
0x19: {  	s16 =	sand.u32 $0x70, s15;
	s17 =	sand.u32 $0x1C00, s14  }
0x1a: {  	s16 =	sor.u32 s16, s17  }
0x1b: {  	[tilespmem:s16+$0x400] =	vst v1  }
0x1c: {  	v1 =	vld.idx.msk [tilespmem:v2+s8+$0x0], $0xffff  }
0x1d: {  	v63 =	vadd.s32 $0x400, v0;
	_ =	sdelay $0x3  }
0x1e: {  	[tilespmem:s16+$0x480] =	vst v1  }
0x1f: {  	v1 =	vld.idx.msk [tilespmem:v63+s8+$0x0], $0xffff  }
0x20: {  	v4 =	vadd.s32 $0x600, v0;
	_ =	sdelay $0x3  }
0x21: {  	[tilespmem:s16+$0x500] =	vst v1  }
0x22: {  	v1 =	vld.idx.msk [tilespmem:v4+s8+$0x0], $0xffff  }
0x23: {  	v5 =	vadd.s32 $0x800, v0;
	_ =	sdelay $0x3  }
0x24: {  	[tilespmem:s16+$0x580] =	vst v1  }
0x25: {  	v1 =	vld.idx.msk [tilespmem:v5+s8+$0x0], $0xffff  }
0x26: {  	v6 =	vadd.s32 $0xA00, v0;
	_ =	sdelay $0x3  }
0x27: {  	[tilespmem:s16+$0x600] =	vst v1  }
0x28: {  	v1 =	vld.idx.msk [tilespmem:v6+s8+$0x0], $0xffff  }
0x29: {  	v7 =	vadd.s32 $0xC00, v0;
	_ =	sdelay $0x3  }
0x2a: {  	[tilespmem:s16+$0x680] =	vst v1  }
0x2b: {  	v1 =	vld.idx.msk [tilespmem:v7+s8+$0x0], $0xffff  }
0x2c: {  	v8 =	vadd.s32 $0xE00, v0;
	_ =	sdelay $0x3  }
0x2d: {  	[tilespmem:s16+$0x700] =	vst v1  }
0x2e: {  	v1 =	vld.idx.msk [tilespmem:v8+s8+$0x0], $0xffff  }
0x2f: {  	v9 =	vadd.s32 $0x1000, v0;
	_ =	sdelay $0x1  }
0x30: {  	s31 =	sor.u32 s14, s15  }
0x31: {  	s17 =	sor.u32 $0x380, s31  }
0x32: {  	[tilespmem:s17+$0x400] =	vst v1  }
0x33: {  	v1 =	vld.idx.msk [tilespmem:v9+s8+$0x0], $0xffff  }
0x34: {  	v10 =	vadd.s32 $0x1200, v0;
	_ =	sdelay $0x3  }
0x35: {  	[tilespmem:s16+$0x2400] =	vst v1  }
0x36: {  	v1 =	vld.idx.msk [tilespmem:v10+s8+$0x0], $0xffff  }
0x37: {  	v11 =	vadd.s32 $0x1400, v0;
	_ =	sdelay $0x3  }
0x38: {  	[tilespmem:s16+$0x2480] =	vst v1  }
0x39: {  	v1 =	vld.idx.msk [tilespmem:v11+s8+$0x0], $0xffff  }
0x3a: {  	v12 =	vadd.s32 $0x1600, v0;
	_ =	sdelay $0x3  }
0x3b: {  	[tilespmem:s16+$0x2500] =	vst v1  }
0x3c: {  	v1 =	vld.idx.msk [tilespmem:v12+s8+$0x0], $0xffff  }
0x3d: {  	v13 =	vadd.s32 $0x1800, v0;
	_ =	sdelay $0x3  }
0x3e: {  	[tilespmem:s16+$0x2580] =	vst v1  }
0x3f: {  	v1 =	vld.idx.msk [tilespmem:v13+s8+$0x0], $0xffff  }
0x40: {  	v14 =	vadd.s32 $0x1A00, v0;
	_ =	sdelay $0x3  }
0x41: {  	[tilespmem:s16+$0x2600] =	vst v1  }
0x42: {  	v1 =	vld.idx.msk [tilespmem:v14+s8+$0x0], $0xffff  }
0x43: {  	v15 =	vadd.s32 $0x1C00, v0;
	_ =	sdelay $0x3  }
0x44: {  	[tilespmem:s16+$0x2680] =	vst v1  }
0x45: {  	v1 =	vld.idx.msk [tilespmem:v15+s8+$0x0], $0xffff  }
0x46: {  	v16 =	vadd.s32 $0x1E00, v0;
	_ =	sdelay $0x3  }
0x47: {  	[tilespmem:s16+$0x2700] =	vst v1  }
0x48: {  	v1 =	vld.idx.msk [tilespmem:v16+s8+$0x0], $0xffff  }
0x49: {  	v17 =	vadd.s32 $0x2000, v0;
	_ =	sdelay $0x3  }
0x4a: {  	[tilespmem:s16+$0x2780] =	vst v1  }
0x4b: {  	v1 =	vld.idx.msk [tilespmem:v17+s8+$0x0], $0xffff  }
0x4c: {  	v18 =	vadd.s32 $0x2200, v0;
	_ =	sdelay $0x3  }
0x4d: {  	[tilespmem:s16+$0x4400] =	vst v1  }
0x4e: {  	v1 =	vld.idx.msk [tilespmem:v18+s8+$0x0], $0xffff  }
0x4f: {  	v19 =	vadd.s32 $0x2400, v0;
	_ =	sdelay $0x3  }
0x50: {  	[tilespmem:s16+$0x4480] =	vst v1  }
0x51: {  	v1 =	vld.idx.msk [tilespmem:v19+s8+$0x0], $0xffff  }
0x52: {  	v20 =	vadd.s32 $0x2600, v0;
	_ =	sdelay $0x3  }
0x53: {  	[tilespmem:s16+$0x4500] =	vst v1  }
0x54: {  	v1 =	vld.idx.msk [tilespmem:v20+s8+$0x0], $0xffff  }
0x55: {  	v21 =	vadd.s32 $0x2800, v0;
	_ =	sdelay $0x3  }
0x56: {  	[tilespmem:s16+$0x4580] =	vst v1  }
0x57: {  	v1 =	vld.idx.msk [tilespmem:v21+s8+$0x0], $0xffff  }
0x58: {  	v22 =	vadd.s32 $0x2A00, v0;
	_ =	sdelay $0x3  }
0x59: {  	[tilespmem:s16+$0x4600] =	vst v1  }
0x5a: {  	v1 =	vld.idx.msk [tilespmem:v22+s8+$0x0], $0xffff  }
0x5b: {  	v23 =	vadd.s32 $0x2C00, v0;
	_ =	sdelay $0x3  }
0x5c: {  	[tilespmem:s16+$0x4680] =	vst v1  }
0x5d: {  	v1 =	vld.idx.msk [tilespmem:v23+s8+$0x0], $0xffff  }
0x5e: {  	v24 =	vadd.s32 $0x2E00, v0;
	_ =	sdelay $0x3  }
0x5f: {  	[tilespmem:s16+$0x4700] =	vst v1  }
0x60: {  	v1 =	vld.idx.msk [tilespmem:v24+s8+$0x0], $0xffff  }
0x61: {  	v25 =	vadd.s32 $0x3000, v0;
	_ =	sdelay $0x3  }
0x62: {  	[tilespmem:s16+$0x4780] =	vst v1  }
0x63: {  	v1 =	vld.idx.msk [tilespmem:v25+s8+$0x0], $0xffff  }
0x64: {  	v26 =	vadd.s32 $0x3200, v0;
	_ =	sdelay $0x3  }
0x65: {  	[tilespmem:s16+$0x6400] =	vst v1  }
0x66: {  	v1 =	vld.idx.msk [tilespmem:v26+s8+$0x0], $0xffff  }
0x67: {  	v27 =	vadd.s32 $0x3400, v0;
	_ =	sdelay $0x3  }
0x68: {  	[tilespmem:s16+$0x6480] =	vst v1  }
0x69: {  	v1 =	vld.idx.msk [tilespmem:v27+s8+$0x0], $0xffff  }
0x6a: {  	v28 =	vadd.s32 $0x3600, v0;
	_ =	sdelay $0x3  }
0x6b: {  	[tilespmem:s16+$0x6500] =	vst v1  }
0x6c: {  	v1 =	vld.idx.msk [tilespmem:v28+s8+$0x0], $0xffff  }
0x6d: {  	v29 =	vadd.s32 $0x3800, v0;
	_ =	sdelay $0x3  }
0x6e: {  	[tilespmem:s16+$0x6580] =	vst v1  }
0x6f: {  	v1 =	vld.idx.msk [tilespmem:v29+s8+$0x0], $0xffff  }
0x70: {  	v30 =	vadd.s32 $0x3A00, v0;
	_ =	sdelay $0x3  }
0x71: {  	[tilespmem:s16+$0x6600] =	vst v1  }
0x72: {  	v1 =	vld.idx.msk [tilespmem:v30+s8+$0x0], $0xffff  }
0x73: {  	v31 =	vadd.s32 $0x3C00, v0;
	_ =	sdelay $0x3  }
0x74: {  	[tilespmem:s16+$0x6680] =	vst v1  }
0x75: {  	v1 =	vld.idx.msk [tilespmem:v31+s8+$0x0], $0xffff  }
0x76: {  	v32 =	vadd.s32 $0x3E00, v0;
	_ =	sdelay $0x3  }
0x77: {  	[tilespmem:s16+$0x6700] =	vst v1  }
0x78: {  	v1 =	vld.idx.msk [tilespmem:v32+s8+$0x0], $0xffff  }
0x79: {  	v33 =	vadd.s32 $0x4000, v0;
	_ =	sdelay $0x3  }
0x7a: {  	[tilespmem:s16+$0x6780] =	vst v1  }
0x7b: {  	v1 =	vld.idx.msk [tilespmem:v33+s8+$0x0], $0xffff  }
0x7c: {  	v34 =	vadd.s32 $0x4200, v0;
	_ =	sdelay $0x3  }
0x7d: {  	[tilespmem:s16+$0x8400] =	vst v1  }
0x7e: {  	v1 =	vld.idx.msk [tilespmem:v34+s8+$0x0], $0xffff  }
0x7f: {  	v35 =	vadd.s32 $0x4400, v0;
	_ =	sdelay $0x3  }
0x80: {  	[tilespmem:s16+$0x8480] =	vst v1  }
0x81: {  	v1 =	vld.idx.msk [tilespmem:v35+s8+$0x0], $0xffff  }
0x82: {  	v36 =	vadd.s32 $0x4600, v0;
	_ =	sdelay $0x3  }
0x83: {  	[tilespmem:s16+$0x8500] =	vst v1  }
0x84: {  	v1 =	vld.idx.msk [tilespmem:v36+s8+$0x0], $0xffff  }
0x85: {  	v37 =	vadd.s32 $0x4800, v0;
	_ =	sdelay $0x3  }
0x86: {  	[tilespmem:s16+$0x8580] =	vst v1  }
0x87: {  	v1 =	vld.idx.msk [tilespmem:v37+s8+$0x0], $0xffff  }
0x88: {  	v38 =	vadd.s32 $0x4A00, v0;
	_ =	sdelay $0x3  }
0x89: {  	[tilespmem:s16+$0x8600] =	vst v1  }
0x8a: {  	v1 =	vld.idx.msk [tilespmem:v38+s8+$0x0], $0xffff  }
0x8b: {  	v39 =	vadd.s32 $0x4C00, v0;
	_ =	sdelay $0x3  }
0x8c: {  	[tilespmem:s16+$0x8680] =	vst v1  }
0x8d: {  	v1 =	vld.idx.msk [tilespmem:v39+s8+$0x0], $0xffff  }
0x8e: {  	v40 =	vadd.s32 $0x4E00, v0;
	_ =	sdelay $0x3  }
0x8f: {  	[tilespmem:s16+$0x8700] =	vst v1  }
0x90: {  	v1 =	vld.idx.msk [tilespmem:v40+s8+$0x0], $0xffff  }
0x91: {  	v41 =	vadd.s32 $0x5000, v0;
	_ =	sdelay $0x3  }
0x92: {  	[tilespmem:s16+$0x8780] =	vst v1  }
0x93: {  	v1 =	vld.idx.msk [tilespmem:v41+s8+$0x0], $0xffff  }
0x94: {  	v42 =	vadd.s32 $0x5200, v0;
	_ =	sdelay $0x3  }
0x95: {  	[tilespmem:s16+$0xA400] =	vst v1  }
0x96: {  	v1 =	vld.idx.msk [tilespmem:v42+s8+$0x0], $0xffff  }
0x97: {  	v43 =	vadd.s32 $0x5400, v0;
	_ =	sdelay $0x3  }
0x98: {  	[tilespmem:s16+$0xA480] =	vst v1  }
0x99: {  	v1 =	vld.idx.msk [tilespmem:v43+s8+$0x0], $0xffff  }
0x9a: {  	v44 =	vadd.s32 $0x5600, v0;
	_ =	sdelay $0x3  }
0x9b: {  	[tilespmem:s16+$0xA500] =	vst v1  }
0x9c: {  	v1 =	vld.idx.msk [tilespmem:v44+s8+$0x0], $0xffff  }
0x9d: {  	v45 =	vadd.s32 $0x5800, v0;
	_ =	sdelay $0x3  }
0x9e: {  	[tilespmem:s16+$0xA580] =	vst v1  }
0x9f: {  	v1 =	vld.idx.msk [tilespmem:v45+s8+$0x0], $0xffff  }
0xa0: {  	v46 =	vadd.s32 $0x5A00, v0;
	_ =	sdelay $0x3  }
0xa1: {  	[tilespmem:s16+$0xA600] =	vst v1  }
0xa2: {  	v1 =	vld.idx.msk [tilespmem:v46+s8+$0x0], $0xffff  }
0xa3: {  	v47 =	vadd.s32 $0x5C00, v0;
	_ =	sdelay $0x3  }
0xa4: {  	[tilespmem:s16+$0xA680] =	vst v1  }
0xa5: {  	v1 =	vld.idx.msk [tilespmem:v47+s8+$0x0], $0xffff  }
0xa6: {  	v48 =	vadd.s32 $0x5E00, v0;
	_ =	sdelay $0x3  }
0xa7: {  	[tilespmem:s16+$0xA700] =	vst v1  }
0xa8: {  	v1 =	vld.idx.msk [tilespmem:v48+s8+$0x0], $0xffff  }
0xa9: {  	v49 =	vadd.s32 $0x6000, v0;
	_ =	sdelay $0x3  }
0xaa: {  	[tilespmem:s16+$0xA780] =	vst v1  }
0xab: {  	v1 =	vld.idx.msk [tilespmem:v49+s8+$0x0], $0xffff  }
0xac: {  	v50 =	vadd.s32 $0x6200, v0;
	_ =	sdelay $0x3  }
0xad: {  	[tilespmem:s16+$0xC400] =	vst v1  }
0xae: {  	v1 =	vld.idx.msk [tilespmem:v50+s8+$0x0], $0xffff  }
0xaf: {  	v51 =	vadd.s32 $0x6400, v0;
	_ =	sdelay $0x3  }
0xb0: {  	[tilespmem:s16+$0xC480] =	vst v1  }
0xb1: {  	v1 =	vld.idx.msk [tilespmem:v51+s8+$0x0], $0xffff  }
0xb2: {  	v52 =	vadd.s32 $0x6600, v0;
	_ =	sdelay $0x3  }
0xb3: {  	[tilespmem:s16+$0xC500] =	vst v1  }
0xb4: {  	v1 =	vld.idx.msk [tilespmem:v52+s8+$0x0], $0xffff  }
0xb5: {  	v53 =	vadd.s32 $0x6800, v0;
	_ =	sdelay $0x3  }
0xb6: {  	[tilespmem:s16+$0xC580] =	vst v1  }
0xb7: {  	v1 =	vld.idx.msk [tilespmem:v53+s8+$0x0], $0xffff  }
0xb8: {  	v54 =	vadd.s32 $0x6A00, v0;
	_ =	sdelay $0x3  }
0xb9: {  	[tilespmem:s16+$0xC600] =	vst v1  }
0xba: {  	v1 =	vld.idx.msk [tilespmem:v54+s8+$0x0], $0xffff  }
0xbb: {  	v55 =	vadd.s32 $0x6C00, v0;
	_ =	sdelay $0x3  }
0xbc: {  	[tilespmem:s16+$0xC680] =	vst v1  }
0xbd: {  	v1 =	vld.idx.msk [tilespmem:v55+s8+$0x0], $0xffff  }
0xbe: {  	v56 =	vadd.s32 $0x6E00, v0;
	_ =	sdelay $0x3  }
0xbf: {  	[tilespmem:s16+$0xC700] =	vst v1  }
0xc0: {  	v1 =	vld.idx.msk [tilespmem:v56+s8+$0x0], $0xffff  }
0xc1: {  	v57 =	vadd.s32 $0x7000, v0;
	_ =	sdelay $0x3  }
0xc2: {  	[tilespmem:s16+$0xC780] =	vst v1  }
0xc3: {  	v1 =	vld.idx.msk [tilespmem:v57+s8+$0x0], $0xffff  }
0xc4: {  	v58 =	vadd.s32 $0x7200, v0;
	_ =	sdelay $0x3  }
0xc5: {  	[tilespmem:s16+$0xE400] =	vst v1  }
0xc6: {  	v1 =	vld.idx.msk [tilespmem:v58+s8+$0x0], $0xffff  }
0xc7: {  	v59 =	vadd.s32 $0x7400, v0;
	_ =	sdelay $0x3  }
0xc8: {  	[tilespmem:s16+$0xE480] =	vst v1  }
0xc9: {  	v1 =	vld.idx.msk [tilespmem:v59+s8+$0x0], $0xffff  }
0xca: {  	v60 =	vadd.s32 $0x7600, v0;
	_ =	sdelay $0x3  }
0xcb: {  	[tilespmem:s16+$0xE500] =	vst v1  }
0xcc: {  	v1 =	vld.idx.msk [tilespmem:v60+s8+$0x0], $0xffff  }
0xcd: {  	v61 =	vadd.s32 $0x7800, v0;
	_ =	sdelay $0x3  }
0xce: {  	[tilespmem:s16+$0xE580] =	vst v1  }
0xcf: {  	v1 =	vld.idx.msk [tilespmem:v61+s8+$0x0], $0xffff  }
0xd0: {  	v62 =	vadd.s32 $0x7A00, v0;
	_ =	sdelay $0x3  }
0xd1: {  	[tilespmem:s16+$0xE600] =	vst v1  }
0xd2: {  	v1 =	vld.idx.msk [tilespmem:v62+s8+$0x0], $0xffff  }
0xd3: {  	v63 =	vadd.s32 $0x7C00, v0;
	_ =	sdelay $0x3  }
0xd4: {  	[tilespmem:s16+$0xE680] =	vst v1  }
0xd5: {  	v1 =	vld.idx.msk [tilespmem:v63+s8+$0x0], $0xffff  }
0xd6: {  	v0 =	vadd.s32 $0x7E00, v0;
	_ =	sdelay $0x3  }
0xd7: {  	[tilespmem:s16+$0xE700] =	vst v1  }
0xd8: {  	p0 =	sne.s32 s15, $0x3F0;
	v0 =	vld.idx.msk [tilespmem:v0+s8+$0x0], $0xffff  }
.Ltmp0:
0xd9: {  	_ = 	snop;
	(pc) =	sbr.rel @p0 .LBB2_2-.Ltmp0, $2  }
0xda: {  	_ =	sdelay $0x2  }
0xdb: {  	s14 =	sadd.s32 $0x80, s14;
	s13 =	sadd.s32 $0x10, s13;
	s15 =	sadd.s32 $0x10, s15;
	[tilespmem:s16+$0xE780] =	vst v0  }
0xdc: {  	s12 =	sadd.s32 $0x1, s12  }
0xdd: {  	p0 =	sne.s32 s12, s6  }
.Ltmp1:
0xde: {  	_ = 	snop;
	(pc) =	sbr.rel @p0 .LBB2_1-.Ltmp1, $4  }
0xdf: {  	[hbm4b:s5+s9] =	stream.strided.scatter [tilespmem:s11], [sflag:$0x1], $0x10000, s10, s9, $0x38;
	[tilespmem:$0x18400] =	vst v63  }
0xe0: {  	_ =	swait.ge [sflag:s7], $0x10000  }
0xe1: {  	[sflag:s7] =	ssyncset.done $0x0  }
0xe2: {  	[sflag:s7] =	ssyncadd.s32 $0xFFFF0000  }
0xe3: {  	_ =	sfence.sel $0x180000  }
0xe4: {  	[bflag:$0x0] =	sbarrier.arrive $0xFFFF  }
0xe5: {  	p0 =	sne.s32 s2, $0x0;
	_ =	strace $0x90000047  }
0xe6: {  	s0 =	sadd.s32 @!p0 $0x100000, s0;
	[bflag:$0x2] =	sbarrier.arrive $0xFFFF  }
0xe7: {  	[sflag:s0] =	ssyncadd.tile.s32 @!p0 $0x1;
	_ =	shalt  }
.Lfunc_end2:
_tile_overlayer_lowered:
.L_overlay_start_2:
0xe8: {  	(tag) =	ssettag $0x2  }
0xe9: {  	s0 =	rddreg [dreg:$0x0];
	s2 =	stileid.u32  }
0xea: {  	s1 =	rddreg [dreg:$0x1];
	p0 =	sne.s32 s2, $0x0  }
0xeb: {  	s3 =	rddreg [dreg:$0x2];
	[bflag:$0x3] =	sbarrier.arrive $0xFFFF;
	s2 =	simm.s32 @!p0 $0x1C01  }
0xec: {  	[timem:s3], [sflag:s2] =	dma.local @!p0 [hbm:s0], s1  }
0xed: {  	s0 =	simm.s32 @!p0 $0x1  }
0xee: {  	_ =	swait.ge @!p0 [sflag:s0], s1  }
0xef: {  	s1 =	ssub.s32 @!p0 $0x0, s1;
	[sflag:s0] =	ssyncset.done @!p0 $0x0  }
0xf0: {  	[sflag:s0] =	ssyncadd.s32 @!p0 s1  }
0xf1: {  	[bflag:$0x3] =	sbarrier.arrive $0xFFFF  }
0xf2: {  	_ =	shalt  }

</sc_bundles>
